<compile_context>
chip_gen: v7x
topology: tpu7x:2x2x1
jax: 0.10.2.dev20260603
libtpu: 0.0.44.dev20260713+nightly
codegen_flags: <defaults>
</compile_context>

<pallas_src>
import functools

import jax
import jax.numpy as jnp
from jax import lax
from jax.experimental import pallas as pl
from jax.experimental.pallas import tpu as pltpu
from jax.experimental.pallas import tpu_sc as plsc

N_NODES = 10000
N_EDGES = 320000
D = 128

NC = 2
NS = 16

LANES = 128
S0 = 128
S1 = 30
CH = 64
S_PAD = 128
E_PAD = NS * (S0 + S1) * LANES
ACC_N = 10112
ZROWS = ACC_N // NS

_sc_mesh = plsc.VectorSubcoreMesh(core_axis_name="c", subcore_axis_name="s")


@functools.partial(
    pl.kernel,
    out_type=jax.ShapeDtypeStruct((NC, ACC_N, D), jnp.float32),
    mesh=_sc_mesh,
    scratch_types=[
        pltpu.VMEM((CH, LANES), jnp.int32),
        pltpu.VMEM((CH, LANES), jnp.int32),
        pltpu.VMEM((LANES, D), jnp.float32),
        pltpu.VMEM((LANES, D), jnp.float32),
        pltpu.VMEM_SHARED((ACC_N, D), jnp.float32),
        pltpu.SemaphoreType.DMA,
        pltpu.SemaphoreType.DMA,
        pltpu.SemaphoreType.DMA,
        pltpu.SemaphoreType.DMA,
    ],
)
def _sc_segment_sum(emb_hbm, src_hbm, dst_hbm, out_hbm,
                    src_v, dst_v, rows_v, rows2_v, acc_sh,
                    gsem, gsem2, ssem, ssem2):
    cid = lax.axis_index("c")
    sid = lax.axis_index("s")
    wid = cid * NS + sid
    nst = jnp.where(cid == 0, S0, S1)

    def zero_row(i, _):
        for c in range(D // 16):
            rows_v[i, pl.ds(c * 16, 16)] = jnp.zeros((16,), jnp.float32)
        return 0
    lax.fori_loop(0, LANES, zero_row, 0)
    for z in range(ZROWS // LANES):
        pltpu.sync_copy(rows_v, acc_sh.at[pl.ds(sid * ZROWS + z * LANES, LANES)])
    _rem = ZROWS % LANES
    if _rem:
        pltpu.sync_copy(
            rows_v.at[pl.ds(0, _rem)],
            acc_sh.at[pl.ds(sid * ZROWS + (ZROWS // LANES) * LANES, _rem)])
    plsc.subcore_barrier()

    def chunk_body(c, _):
        pltpu.sync_copy(src_hbm.at[wid, pl.ds(c * CH, CH)], src_v)
        pltpu.sync_copy(dst_hbm.at[wid, pl.ds(c * CH, CH)], dst_v)
        npair = jnp.minimum(CH, nst - c * CH) // 2

        pltpu.async_copy(emb_hbm.at[src_v.at[0]], rows_v, gsem).wait()
        pltpu.async_copy(rows_v, acc_sh.at[dst_v.at[0]], ssem, add=True)
        pltpu.async_copy(emb_hbm.at[src_v.at[1]], rows2_v, gsem2).wait()
        pltpu.async_copy(rows2_v, acc_sh.at[dst_v.at[1]], ssem2, add=True)

        def pair_body(k, _):
            pltpu.make_async_copy(rows_v, acc_sh.at[dst_v.at[0]], ssem).wait()
            pltpu.async_copy(emb_hbm.at[src_v.at[2 * k]], rows_v, gsem).wait()
            pltpu.async_copy(rows_v, acc_sh.at[dst_v.at[2 * k]], ssem,
                             add=True)
            pltpu.make_async_copy(rows2_v, acc_sh.at[dst_v.at[0]],
                                  ssem2).wait()
            pltpu.async_copy(emb_hbm.at[src_v.at[2 * k + 1]], rows2_v,
                             gsem2).wait()
            pltpu.async_copy(rows2_v, acc_sh.at[dst_v.at[2 * k + 1]], ssem2,
                             add=True)
            return 0
        lax.fori_loop(1, npair, pair_body, 0)
        pltpu.make_async_copy(rows_v, acc_sh.at[dst_v.at[0]], ssem).wait()
        pltpu.make_async_copy(rows2_v, acc_sh.at[dst_v.at[0]], ssem2).wait()
        return 0

    nch = (nst + CH - 1) // CH
    lax.fori_loop(0, nch, chunk_body, 0)
    plsc.subcore_barrier()

    pltpu.sync_copy(acc_sh.at[pl.ds(sid * ZROWS, ZROWS)],
                    out_hbm.at[cid, pl.ds(sid * ZROWS, ZROWS)])


_BLK = 2000


def _tc_body(x_ref, n0_ref, n1_ref, w1_ref, w2_ref, b_ref, o_ref):
    h = jnp.dot(x_ref[...], w1_ref[...], preferred_element_type=jnp.float32)
    h += jnp.dot(n0_ref[0] + n1_ref[0], w2_ref[...],
                 preferred_element_type=jnp.float32)
    h += b_ref[...]
    h = jnp.maximum(h, 0.0)
    s = jnp.sum(h, axis=0, keepdims=True)

    @pl.when(pl.program_id(0) == 0)
    def _():
        o_ref[...] = jnp.zeros_like(o_ref)
    o_ref[...] += s


def _tc_reduce(x, partials, W1T, W2T, bias):
    return pl.pallas_call(
        _tc_body,
        grid=(N_NODES // _BLK,),
        in_specs=[
            pl.BlockSpec((_BLK, D), lambda i: (i, 0)),
            pl.BlockSpec((1, _BLK, D), lambda i: (0, i, 0)),
            pl.BlockSpec((1, _BLK, D), lambda i: (1, i, 0)),
            pl.BlockSpec((D, D), lambda i: (0, 0)),
            pl.BlockSpec((D, D), lambda i: (0, 0)),
            pl.BlockSpec((1, D), lambda i: (0, 0)),
        ],
        out_specs=pl.BlockSpec((1, D), lambda i: (0, 0)),
        out_shape=jax.ShapeDtypeStruct((1, D), jnp.float32),
        compiler_params=pltpu.CompilerParams(
            dimension_semantics=("arbitrary",)),
    )(x, partials, partials, W1T, W2T, bias)


def kernel(x, edge_index, emb, W1, b1, W2, b2):
    src = edge_index[0]
    dst = edge_index[1]
    pad = E_PAD - N_EDGES
    src_p = jnp.concatenate([src, jnp.zeros((pad,), jnp.int32)])
    dst_p = jnp.concatenate([dst, jnp.full((pad,), N_NODES, jnp.int32)])

    split = NS * S0 * LANES
    src30 = jnp.pad(src_p[:split].reshape(NS, S0, LANES),
                    ((0, 0), (0, S_PAD - S0), (0, 0)))
    dst30 = jnp.pad(dst_p[:split].reshape(NS, S0, LANES),
                    ((0, 0), (0, S_PAD - S0), (0, 0)),
                    constant_values=N_NODES)
    src31 = jnp.pad(src_p[split:].reshape(NS, S1, LANES),
                    ((0, 0), (0, S_PAD - S1), (0, 0)))
    dst31 = jnp.pad(dst_p[split:].reshape(NS, S1, LANES),
                    ((0, 0), (0, S_PAD - S1), (0, 0)),
                    constant_values=N_NODES)
    src3 = jnp.concatenate([src30, src31], axis=0)
    dst3 = jnp.concatenate([dst30, dst31], axis=0)

    partials = _sc_segment_sum(emb, src3, dst3)

    bias = (b1 + b2).reshape(1, D)
    out = _tc_reduce(x, partials, W1.T, W2.T, bias)
    return out.reshape(D)

# --- scband reference (transcript-rebuilt; emitter-appended) ---
"""Pipeline reference for scband-s2v-embedding-65111704208101 (READ-ONLY COPY).

The authoritative reference and input builder live on the scoring server;
editing this copy changes nothing except your own understanding.
"""

import jax, jax.numpy as jnp
import numpy as np

N_NODES = 10000
N_EDGES = 320000
D_FEAT = 128
OUT_DIM = 128


def _xavier_uniform(key, shape):
    fan_in, fan_out = shape[1], shape[0]
    limit = float(np.sqrt(6.0 / (fan_in + fan_out)))
    return jax.random.uniform(key, shape, minval=-limit, maxval=limit, dtype=jnp.float32)


def setup_inputs(seed: int = 0) -> dict:
    key = jax.random.key(seed)
    k_x, k_e, k_emb, k_w1, k_w2 = jax.random.split(key, 5)
    x = jax.random.normal(k_x, (N_NODES, D_FEAT), dtype=jnp.float32)
    edge_index = jax.random.randint(k_e, (2, N_EDGES), 0, N_NODES, dtype=jnp.int32)
    emb = jax.random.normal(k_emb, (N_NODES, OUT_DIM), dtype=jnp.float32)
    W1 = _xavier_uniform(k_w1, (OUT_DIM, D_FEAT))
    b1 = jnp.zeros((OUT_DIM,), dtype=jnp.float32)
    W2 = _xavier_uniform(k_w2, (OUT_DIM, OUT_DIM))
    b2 = jnp.zeros((OUT_DIM,), dtype=jnp.float32)
    return {"x": x, "edge_index": edge_index, "emb": emb, "W1": W1, "b1": b1, "W2": W2, "b2": b2}


def reference(x, edge_index, emb, W1, b1, W2, b2):
    # n2v: for each node v, nbr_emb_sum = sum_{u in N(v)} emb[u]
    src = edge_index[0]
    dst = edge_index[1]
    gathered = jnp.take(emb, src, axis=0)              # gather neighbor embeddings [E, OUT_DIM]
    nbr_sum = jax.ops.segment_sum(gathered, dst, num_segments=N_NODES)  # scatter-add [N, OUT_DIM]
    # u(v) = relu(W1 x(v) + W2 * nbr_sum(v))  (Linear layers include bias)
    new_emb = jax.nn.relu(x @ W1.T + b1 + nbr_sum @ W2.T + b2)  # [N, OUT_DIM]
    # g2v: graph embedding = sum over all node embeddings
    graph_embedding = jnp.sum(new_emb, axis=0)  # [OUT_DIM]
    return graph_embedding

if __name__ == "__main__":
    import jax
    _d = setup_inputs()
    print(jax.jit(kernel)(*tuple(_d.values())))

</pallas_src>

<mosaic_0001>
#map = affine_map<(d0, d1) -> (0, 0)>
#map1 = affine_map<(d0, d1) -> (0, 0, 0)>
module attributes {stable_mosaic.version = 14 : i64} {
  func.func @_sc_segment_sum(%arg0: i32, %arg1: i32, %arg2: memref<10000x128xf32, #tpu.memory_space<hbm>>, %arg3: memref<32x128x128xi32, #tpu.memory_space<hbm>>, %arg4: memref<32x128x128xi32, #tpu.memory_space<hbm>>, %arg5: memref<2x10112x128xf32, #tpu.memory_space<hbm>>, %arg6: memref<64x128xi32, #tpu.memory_space<vmem>>, %arg7: memref<64x128xi32, #tpu.memory_space<vmem>>, %arg8: memref<128x128xf32, #tpu.memory_space<vmem>>, %arg9: memref<128x128xf32, #tpu.memory_space<vmem>>, %arg10: memref<10112x128xf32, #tpu.memory_space<vmem_shared>>, %arg11: memref<!tpu.dma_semaphore, #tpu.memory_space<semaphore_mem>>, %arg12: memref<!tpu.dma_semaphore, #tpu.memory_space<semaphore_mem>>, %arg13: memref<!tpu.dma_semaphore, #tpu.memory_space<semaphore_mem>>, %arg14: memref<!tpu.dma_semaphore, #tpu.memory_space<semaphore_mem>>) attributes {dimension_semantics = [#tpu.dimension_semantics<core_parallel>, #tpu.dimension_semantics<subcore_parallel>], iteration_bounds = array<i64: 2, 16>, scalar_prefetch = 0 : i64, scratch_operands = 9 : i64, tpu.core_type = #tpu.core_type<sc_vector_subcore>, window_params = [{transform_indices = #map}, {transform_indices = #map1}, {transform_indices = #map1}, {transform_indices = #map1}]} {
    %mul3A = arith.constant 16 : i32
    %mul3A_0 = arith.muli %arg0, %mul3A : i32
    %add3A = arith.addi %mul3A_0, %arg1 : i32
    %eq3A = arith.constant 0 : i32
    %eq3A_1 = arith.cmpi eq, %arg0, %eq3A : i32
    %jit3A = arith.constant 128 : i32
    %jit3A_2 = arith.constant 30 : i32
    %select_n3A = arith.select %eq3A_1, %jit3A, %jit3A_2 : i32
    %scan3A = arith.constant 0 : i32
    %scan3A_3 = arith.constant 0 : i32
    %scan3A_4 = arith.constant 128 : i32
    %scan3A_5 = arith.addi %scan3A_3, %scan3A_4 : i32
    %scan3A_6 = arith.constant 1 : i32
    %scan3A_7 = scf.for %scan3A_67 = %scan3A_3 to %scan3A_5 step %scan3A_6 iter_args(%scan3A_68 = %scan3A) -> (i32)  : i32 {
      %broadcast_in_dim3A = arith.constant 0.000000e+00 : f32
      %broadcast_in_dim3A_69 = vector.broadcast %broadcast_in_dim3A : f32 to vector<16xf32>
      %swap3A = arith.index_cast %scan3A_67 : i32 to index
      %swap3A_70 = arith.constant 0 : index
      %swap3A_71 = tpu.vector_load %arg8[%swap3A, %swap3A_70] {strides = array<i32>} : memref<128x128xf32, #tpu.memory_space<vmem>>, vector<1x16xf32>,
      %swap3A_72 = vector.shape_cast %swap3A_71 : vector<1x16xf32> to vector<16xf32>
      %swap3A_73 = vector.shape_cast %broadcast_in_dim3A_69 : vector<16xf32> to vector<1x16xf32>
      tpu.vector_store %arg8[%swap3A, %swap3A_70], %swap3A_73 {strides = array<i32>} : memref<128x128xf32, #tpu.memory_space<vmem>>, vector<1x16xf32>,
      %broadcast_in_dim3A_74 = arith.constant 0.000000e+00 : f32
      %broadcast_in_dim3A_75 = vector.broadcast %broadcast_in_dim3A_74 : f32 to vector<16xf32>
      %swap3A_76 = arith.index_cast %scan3A_67 : i32 to index
      %swap3A_77 = arith.constant 16 : index
      %swap3A_78 = tpu.vector_load %arg8[%swap3A_76, %swap3A_77] {strides = array<i32>} : memref<128x128xf32, #tpu.memory_space<vmem>>, vector<1x16xf32>,
      %swap3A_79 = vector.shape_cast %swap3A_78 : vector<1x16xf32> to vector<16xf32>
      %swap3A_80 = vector.shape_cast %broadcast_in_dim3A_75 : vector<16xf32> to vector<1x16xf32>
      tpu.vector_store %arg8[%swap3A_76, %swap3A_77], %swap3A_80 {strides = array<i32>} : memref<128x128xf32, #tpu.memory_space<vmem>>, vector<1x16xf32>,
      %broadcast_in_dim3A_81 = arith.constant 0.000000e+00 : f32
      %broadcast_in_dim3A_82 = vector.broadcast %broadcast_in_dim3A_81 : f32 to vector<16xf32>
      %swap3A_83 = arith.index_cast %scan3A_67 : i32 to index
      %swap3A_84 = arith.constant 32 : index
      %swap3A_85 = tpu.vector_load %arg8[%swap3A_83, %swap3A_84] {strides = array<i32>} : memref<128x128xf32, #tpu.memory_space<vmem>>, vector<1x16xf32>,
      %swap3A_86 = vector.shape_cast %swap3A_85 : vector<1x16xf32> to vector<16xf32>
      %swap3A_87 = vector.shape_cast %broadcast_in_dim3A_82 : vector<16xf32> to vector<1x16xf32>
      tpu.vector_store %arg8[%swap3A_83, %swap3A_84], %swap3A_87 {strides = array<i32>} : memref<128x128xf32, #tpu.memory_space<vmem>>, vector<1x16xf32>,
      %broadcast_in_dim3A_88 = arith.constant 0.000000e+00 : f32
      %broadcast_in_dim3A_89 = vector.broadcast %broadcast_in_dim3A_88 : f32 to vector<16xf32>
      %swap3A_90 = arith.index_cast %scan3A_67 : i32 to index
      %swap3A_91 = arith.constant 48 : index
      %swap3A_92 = tpu.vector_load %arg8[%swap3A_90, %swap3A_91] {strides = array<i32>} : memref<128x128xf32, #tpu.memory_space<vmem>>, vector<1x16xf32>,
      %swap3A_93 = vector.shape_cast %swap3A_92 : vector<1x16xf32> to vector<16xf32>
      %swap3A_94 = vector.shape_cast %broadcast_in_dim3A_89 : vector<16xf32> to vector<1x16xf32>
      tpu.vector_store %arg8[%swap3A_90, %swap3A_91], %swap3A_94 {strides = array<i32>} : memref<128x128xf32, #tpu.memory_space<vmem>>, vector<1x16xf32>,
      %broadcast_in_dim3A_95 = arith.constant 0.000000e+00 : f32
      %broadcast_in_dim3A_96 = vector.broadcast %broadcast_in_dim3A_95 : f32 to vector<16xf32>
      %swap3A_97 = arith.index_cast %scan3A_67 : i32 to index
      %swap3A_98 = arith.constant 64 : index
      %swap3A_99 = tpu.vector_load %arg8[%swap3A_97, %swap3A_98] {strides = array<i32>} : memref<128x128xf32, #tpu.memory_space<vmem>>, vector<1x16xf32>,
      %swap3A_100 = vector.shape_cast %swap3A_99 : vector<1x16xf32> to vector<16xf32>
      %swap3A_101 = vector.shape_cast %broadcast_in_dim3A_96 : vector<16xf32> to vector<1x16xf32>
      tpu.vector_store %arg8[%swap3A_97, %swap3A_98], %swap3A_101 {strides = array<i32>} : memref<128x128xf32, #tpu.memory_space<vmem>>, vector<1x16xf32>,
      %broadcast_in_dim3A_102 = arith.constant 0.000000e+00 : f32
      %broadcast_in_dim3A_103 = vector.broadcast %broadcast_in_dim3A_102 : f32 to vector<16xf32>
      %swap3A_104 = arith.index_cast %scan3A_67 : i32 to index
      %swap3A_105 = arith.constant 80 : index
      %swap3A_106 = tpu.vector_load %arg8[%swap3A_104, %swap3A_105] {strides = array<i32>} : memref<128x128xf32, #tpu.memory_space<vmem>>, vector<1x16xf32>,
      %swap3A_107 = vector.shape_cast %swap3A_106 : vector<1x16xf32> to vector<16xf32>
      %swap3A_108 = vector.shape_cast %broadcast_in_dim3A_103 : vector<16xf32> to vector<1x16xf32>
      tpu.vector_store %arg8[%swap3A_104, %swap3A_105], %swap3A_108 {strides = array<i32>} : memref<128x128xf32, #tpu.memory_space<vmem>>, vector<1x16xf32>,
      %broadcast_in_dim3A_109 = arith.constant 0.000000e+00 : f32
      %broadcast_in_dim3A_110 = vector.broadcast %broadcast_in_dim3A_109 : f32 to vector<16xf32>
      %swap3A_111 = arith.index_cast %scan3A_67 : i32 to index
      %swap3A_112 = arith.constant 96 : index
      %swap3A_113 = tpu.vector_load %arg8[%swap3A_111, %swap3A_112] {strides = array<i32>} : memref<128x128xf32, #tpu.memory_space<vmem>>, vector<1x16xf32>,
      %swap3A_114 = vector.shape_cast %swap3A_113 : vector<1x16xf32> to vector<16xf32>
      %swap3A_115 = vector.shape_cast %broadcast_in_dim3A_110 : vector<16xf32> to vector<1x16xf32>
      tpu.vector_store %arg8[%swap3A_111, %swap3A_112], %swap3A_115 {strides = array<i32>} : memref<128x128xf32, #tpu.memory_space<vmem>>, vector<1x16xf32>,
      %broadcast_in_dim3A_116 = arith.constant 0.000000e+00 : f32
      %broadcast_in_dim3A_117 = vector.broadcast %broadcast_in_dim3A_116 : f32 to vector<16xf32>
      %swap3A_118 = arith.index_cast %scan3A_67 : i32 to index
      %swap3A_119 = arith.constant 112 : index
      %swap3A_120 = tpu.vector_load %arg8[%swap3A_118, %swap3A_119] {strides = array<i32>} : memref<128x128xf32, #tpu.memory_space<vmem>>, vector<1x16xf32>,
      %swap3A_121 = vector.shape_cast %swap3A_120 : vector<1x16xf32> to vector<16xf32>
      %swap3A_122 = vector.shape_cast %broadcast_in_dim3A_117 : vector<16xf32> to vector<1x16xf32>
      tpu.vector_store %arg8[%swap3A_118, %swap3A_119], %swap3A_122 {strides = array<i32>} : memref<128x128xf32, #tpu.memory_space<vmem>>, vector<1x16xf32>,
      %scan3A_123 = arith.constant 0 : i32
      scf.yield %scan3A_123 : i32
    }
    %scan3A_8 = arith.constant 128 : i32
    %mul3A_9 = arith.constant 632 : i32
    %mul3A_10 = arith.muli %arg1, %mul3A_9 : i32
    %add3A_11 = arith.constant 0 : i32
    %add3A_12 = arith.addi %mul3A_10, %add3A_11 : i32
    "tpu.region"() ({
      %run_scoped3A = tpu.sem_alloc : memref<!tpu.dma_semaphore, #tpu.memory_space<semaphore_mem>>
      %dma_start3A = arith.constant 0 : i32
      %dma_start3A_67 = tpu.memref_slice %arg10[%add3A_12, %dma_start3A] : memref<10112x128xf32, #tpu.memory_space<vmem_shared>> -> memref<128x128xf32, #tpu.memory_space<vmem_shared>>
      %dma_start3A_68 = arith.constant 0 : i32
      %dma_start3A_69 = tpu.memref_slice %arg10[%add3A_12, %dma_start3A_68] : memref<10112x128xf32, #tpu.memory_space<vmem_shared>> -> memref<128x128xf32, #tpu.memory_space<vmem_shared>>
      tpu.enqueue_dma source(%arg8 : memref<128x128xf32, #tpu.memory_space<vmem>>) target(%dma_start3A_69 : memref<128x128xf32, #tpu.memory_space<vmem_shared>>) target_semaphore(%run_scoped3A : memref<!tpu.dma_semaphore, #tpu.memory_space<semaphore_mem>>)
      %dma_wait3A = arith.constant 0 : i32
      %dma_wait3A_70 = tpu.memref_slice %arg10[%add3A_12, %dma_wait3A] : memref<10112x128xf32, #tpu.memory_space<vmem_shared>> -> memref<128x128xf32, #tpu.memory_space<vmem_shared>>
      %dma_wait3A_71 = arith.constant 0 : i32
      %dma_wait3A_72 = tpu.memref_slice %arg10[%add3A_12, %dma_wait3A_71] : memref<10112x128xf32, #tpu.memory_space<vmem_shared>> -> memref<128x128xf32, #tpu.memory_space<vmem_shared>>
      tpu.wait_dma2 semaphore(%run_scoped3A : memref<!tpu.dma_semaphore, #tpu.memory_space<semaphore_mem>>) src(%arg8 : memref<128x128xf32, #tpu.memory_space<vmem>>) dst(%dma_wait3A_72 : memref<128x128xf32, #tpu.memory_space<vmem_shared>>)
      tpu.yield
    }) : () -> ()
    %mul3A_13 = arith.constant 632 : i32
    %mul3A_14 = arith.muli %arg1, %mul3A_13 : i32
    %add3A_15 = arith.constant 128 : i32
    %add3A_16 = arith.addi %mul3A_14, %add3A_15 : i32
    "tpu.region"() ({
      %run_scoped3A = tpu.sem_alloc : memref<!tpu.dma_semaphore, #tpu.memory_space<semaphore_mem>>
      %dma_start3A = arith.constant 0 : i32
      %dma_start3A_67 = tpu.memref_slice %arg10[%add3A_16, %dma_start3A] : memref<10112x128xf32, #tpu.memory_space<vmem_shared>> -> memref<128x128xf32, #tpu.memory_space<vmem_shared>>
      %dma_start3A_68 = arith.constant 0 : i32
      %dma_start3A_69 = tpu.memref_slice %arg10[%add3A_16, %dma_start3A_68] : memref<10112x128xf32, #tpu.memory_space<vmem_shared>> -> memref<128x128xf32, #tpu.memory_space<vmem_shared>>
      tpu.enqueue_dma source(%arg8 : memref<128x128xf32, #tpu.memory_space<vmem>>) target(%dma_start3A_69 : memref<128x128xf32, #tpu.memory_space<vmem_shared>>) target_semaphore(%run_scoped3A : memref<!tpu.dma_semaphore, #tpu.memory_space<semaphore_mem>>)
      %dma_wait3A = arith.constant 0 : i32
      %dma_wait3A_70 = tpu.memref_slice %arg10[%add3A_16, %dma_wait3A] : memref<10112x128xf32, #tpu.memory_space<vmem_shared>> -> memref<128x128xf32, #tpu.memory_space<vmem_shared>>
      %dma_wait3A_71 = arith.constant 0 : i32
      %dma_wait3A_72 = tpu.memref_slice %arg10[%add3A_16, %dma_wait3A_71] : memref<10112x128xf32, #tpu.memory_space<vmem_shared>> -> memref<128x128xf32, #tpu.memory_space<vmem_shared>>
      tpu.wait_dma2 semaphore(%run_scoped3A : memref<!tpu.dma_semaphore, #tpu.memory_space<semaphore_mem>>) src(%arg8 : memref<128x128xf32, #tpu.memory_space<vmem>>) dst(%dma_wait3A_72 : memref<128x128xf32, #tpu.memory_space<vmem_shared>>)
      tpu.yield
    }) : () -> ()
    %mul3A_17 = arith.constant 632 : i32
    %mul3A_18 = arith.muli %arg1, %mul3A_17 : i32
    %add3A_19 = arith.constant 256 : i32
    %add3A_20 = arith.addi %mul3A_18, %add3A_19 : i32
    "tpu.region"() ({
      %run_scoped3A = tpu.sem_alloc : memref<!tpu.dma_semaphore, #tpu.memory_space<semaphore_mem>>
      %dma_start3A = arith.constant 0 : i32
      %dma_start3A_67 = tpu.memref_slice %arg10[%add3A_20, %dma_start3A] : memref<10112x128xf32, #tpu.memory_space<vmem_shared>> -> memref<128x128xf32, #tpu.memory_space<vmem_shared>>
      %dma_start3A_68 = arith.constant 0 : i32
      %dma_start3A_69 = tpu.memref_slice %arg10[%add3A_20, %dma_start3A_68] : memref<10112x128xf32, #tpu.memory_space<vmem_shared>> -> memref<128x128xf32, #tpu.memory_space<vmem_shared>>
      tpu.enqueue_dma source(%arg8 : memref<128x128xf32, #tpu.memory_space<vmem>>) target(%dma_start3A_69 : memref<128x128xf32, #tpu.memory_space<vmem_shared>>) target_semaphore(%run_scoped3A : memref<!tpu.dma_semaphore, #tpu.memory_space<semaphore_mem>>)
      %dma_wait3A = arith.constant 0 : i32
      %dma_wait3A_70 = tpu.memref_slice %arg10[%add3A_20, %dma_wait3A] : memref<10112x128xf32, #tpu.memory_space<vmem_shared>> -> memref<128x128xf32, #tpu.memory_space<vmem_shared>>
      %dma_wait3A_71 = arith.constant 0 : i32
      %dma_wait3A_72 = tpu.memref_slice %arg10[%add3A_20, %dma_wait3A_71] : memref<10112x128xf32, #tpu.memory_space<vmem_shared>> -> memref<128x128xf32, #tpu.memory_space<vmem_shared>>
      tpu.wait_dma2 semaphore(%run_scoped3A : memref<!tpu.dma_semaphore, #tpu.memory_space<semaphore_mem>>) src(%arg8 : memref<128x128xf32, #tpu.memory_space<vmem>>) dst(%dma_wait3A_72 : memref<128x128xf32, #tpu.memory_space<vmem_shared>>)
      tpu.yield
    }) : () -> ()
    %mul3A_21 = arith.constant 632 : i32
    %mul3A_22 = arith.muli %arg1, %mul3A_21 : i32
    %add3A_23 = arith.constant 384 : i32
    %add3A_24 = arith.addi %mul3A_22, %add3A_23 : i32
    "tpu.region"() ({
      %run_scoped3A = tpu.sem_alloc : memref<!tpu.dma_semaphore, #tpu.memory_space<semaphore_mem>>
      %dma_start3A = arith.constant 0 : i32
      %dma_start3A_67 = tpu.memref_slice %arg10[%add3A_24, %dma_start3A] : memref<10112x128xf32, #tpu.memory_space<vmem_shared>> -> memref<128x128xf32, #tpu.memory_space<vmem_shared>>
      %dma_start3A_68 = arith.constant 0 : i32
      %dma_start3A_69 = tpu.memref_slice %arg10[%add3A_24, %dma_start3A_68] : memref<10112x128xf32, #tpu.memory_space<vmem_shared>> -> memref<128x128xf32, #tpu.memory_space<vmem_shared>>
      tpu.enqueue_dma source(%arg8 : memref<128x128xf32, #tpu.memory_space<vmem>>) target(%dma_start3A_69 : memref<128x128xf32, #tpu.memory_space<vmem_shared>>) target_semaphore(%run_scoped3A : memref<!tpu.dma_semaphore, #tpu.memory_space<semaphore_mem>>)
      %dma_wait3A = arith.constant 0 : i32
      %dma_wait3A_70 = tpu.memref_slice %arg10[%add3A_24, %dma_wait3A] : memref<10112x128xf32, #tpu.memory_space<vmem_shared>> -> memref<128x128xf32, #tpu.memory_space<vmem_shared>>
      %dma_wait3A_71 = arith.constant 0 : i32
      %dma_wait3A_72 = tpu.memref_slice %arg10[%add3A_24, %dma_wait3A_71] : memref<10112x128xf32, #tpu.memory_space<vmem_shared>> -> memref<128x128xf32, #tpu.memory_space<vmem_shared>>
      tpu.wait_dma2 semaphore(%run_scoped3A : memref<!tpu.dma_semaphore, #tpu.memory_space<semaphore_mem>>) src(%arg8 : memref<128x128xf32, #tpu.memory_space<vmem>>) dst(%dma_wait3A_72 : memref<128x128xf32, #tpu.memory_space<vmem_shared>>)
      tpu.yield
    }) : () -> ()
    %mul3A_25 = arith.constant 632 : i32
    %mul3A_26 = arith.muli %arg1, %mul3A_25 : i32
    %add3A_27 = arith.constant 512 : i32
    %add3A_28 = arith.addi %mul3A_26, %add3A_27 : i32
    "tpu.region"() ({
      %run_scoped3A = tpu.sem_alloc : memref<!tpu.dma_semaphore, #tpu.memory_space<semaphore_mem>>
      %dma_start3A = arith.constant 0 : i32
      %dma_start3A_67 = arith.constant 0 : i32
      %dma_start3A_68 = tpu.memref_slice %arg8[%dma_start3A, %dma_start3A_67] : memref<128x128xf32, #tpu.memory_space<vmem>> -> memref<120x128xf32, #tpu.memory_space<vmem>>
      %dma_start3A_69 = arith.constant 0 : i32
      %dma_start3A_70 = tpu.memref_slice %arg10[%add3A_28, %dma_start3A_69] : memref<10112x128xf32, #tpu.memory_space<vmem_shared>> -> memref<120x128xf32, #tpu.memory_space<vmem_shared>>
      %dma_start3A_71 = arith.constant 0 : i32
      %dma_start3A_72 = tpu.memref_slice %arg10[%add3A_28, %dma_start3A_71] : memref<10112x128xf32, #tpu.memory_space<vmem_shared>> -> memref<120x128xf32, #tpu.memory_space<vmem_shared>>
      %dma_start3A_73 = arith.constant 0 : i32
      %dma_start3A_74 = arith.constant 0 : i32
      %dma_start3A_75 = tpu.memref_slice %arg8[%dma_start3A_73, %dma_start3A_74] : memref<128x128xf32, #tpu.memory_space<vmem>> -> memref<120x128xf32, #tpu.memory_space<vmem>>
      tpu.enqueue_dma source(%dma_start3A_75 : memref<120x128xf32, #tpu.memory_space<vmem>>) target(%dma_start3A_72 : memref<120x128xf32, #tpu.memory_space<vmem_shared>>) target_semaphore(%run_scoped3A : memref<!tpu.dma_semaphore, #tpu.memory_space<semaphore_mem>>)
      %dma_wait3A = arith.constant 0 : i32
      %dma_wait3A_76 = arith.constant 0 : i32
      %dma_wait3A_77 = tpu.memref_slice %arg8[%dma_wait3A, %dma_wait3A_76] : memref<128x128xf32, #tpu.memory_space<vmem>> -> memref<120x128xf32, #tpu.memory_space<vmem>>
      %dma_wait3A_78 = arith.constant 0 : i32
      %dma_wait3A_79 = tpu.memref_slice %arg10[%add3A_28, %dma_wait3A_78] : memref<10112x128xf32, #tpu.memory_space<vmem_shared>> -> memref<120x128xf32, #tpu.memory_space<vmem_shared>>
      %dma_wait3A_80 = arith.constant 0 : i32
      %dma_wait3A_81 = tpu.memref_slice %arg10[%add3A_28, %dma_wait3A_80] : memref<10112x128xf32, #tpu.memory_space<vmem_shared>> -> memref<120x128xf32, #tpu.memory_space<vmem_shared>>
      %dma_wait3A_82 = arith.constant 0 : i32
      %dma_wait3A_83 = arith.constant 0 : i32
      %dma_wait3A_84 = tpu.memref_slice %arg8[%dma_wait3A_82, %dma_wait3A_83] : memref<128x128xf32, #tpu.memory_space<vmem>> -> memref<120x128xf32, #tpu.memory_space<vmem>>
      tpu.wait_dma2 semaphore(%run_scoped3A : memref<!tpu.dma_semaphore, #tpu.memory_space<semaphore_mem>>) src(%dma_wait3A_84 : memref<120x128xf32, #tpu.memory_space<vmem>>) dst(%dma_wait3A_81 : memref<120x128xf32, #tpu.memory_space<vmem_shared>>)
      tpu.yield
    }) : () -> ()
    %barrier3A = arith.constant 0 : index
    tpu.barrier barrier_id(%barrier3A)
    %add3A_29 = arith.constant 64 : i32
    %add3A_30 = arith.addi %select_n3A, %add3A_29 : i32
    %sub3A = arith.constant 1 : i32
    %sub3A_31 = arith.subi %add3A_30, %sub3A : i32
    %jit3A_32 = arith.constant 64 : i32
    %div3A = arith.divsi %sub3A_31, %jit3A_32 : i32
    %sign3A = arith.constant 0 : i32
    %sign3A_33 = arith.cmpi sgt, %sub3A_31, %sign3A : i32
    %sign3A_34 = arith.extui %sign3A_33 : i1 to i32
    %sign3A_35 = arith.constant 0 : i32
    %sign3A_36 = arith.cmpi slt, %sub3A_31, %sign3A_35 : i32
    %sign3A_37 = arith.extui %sign3A_36 : i1 to i32
    %sign3A_38 = arith.subi %sign3A_34, %sign3A_37 : i32
    %sign3A_39 = arith.constant 0 : i32
    %sign3A_40 = arith.cmpi sgt, %jit3A_32, %sign3A_39 : i32
    %sign3A_41 = arith.extui %sign3A_40 : i1 to i32
    %sign3A_42 = arith.constant 0 : i32
    %sign3A_43 = arith.cmpi slt, %jit3A_32, %sign3A_42 : i32
    %sign3A_44 = arith.extui %sign3A_43 : i1 to i32
    %sign3A_45 = arith.subi %sign3A_41, %sign3A_44 : i32
    %ne3A = arith.cmpi ne, %sign3A_38, %sign3A_45 : i32
    %rem3A = arith.remsi %sub3A_31, %jit3A_32 : i32
    %ne3A_46 = arith.constant 0 : i32
    %ne3A_47 = arith.cmpi ne, %rem3A, %ne3A_46 : i32
    %and3A = arith.andi %ne3A, %ne3A_47 : i1
    %sub3A_48 = arith.constant 1 : i32
    %sub3A_49 = arith.subi %div3A, %sub3A_48 : i32
    %select_n3A_50 = arith.select %and3A, %sub3A_49, %div3A : i32
    %while3A = arith.constant 0 : i32
    %while3A_51 = arith.constant 0 : i32
    %while3A_52 = arith.subi %select_n3A_50, %while3A : i32
    %while3A_53 = arith.addi %while3A, %while3A_52 : i32
    %while3A_54 = arith.constant 1 : i32
    %while3A_55 = arith.divsi %while3A_52, %while3A_54 : i32
    %while3A_56 = arith.muli %while3A_55, %while3A_54 : i32
    %while3A_57 = arith.addi %while3A, %while3A_56 : i32
    %while3A_58 = arith.constant 1 : i32
    %while3A_59 = scf.for %while3A_67 = %while3A to %while3A_57 step %while3A_58 iter_args(%while3A_68 = %while3A_51) -> (i32)  : i32 {
      %mul3A_69 = arith.constant 64 : i32
      %mul3A_70 = arith.muli %while3A_67, %mul3A_69 : i32
      "tpu.region"() ({
        %run_scoped3A = tpu.sem_alloc : memref<!tpu.dma_semaphore, #tpu.memory_space<semaphore_mem>>
        %dma_start3A_168 = arith.constant 0 : i32
        %dma_start3A_169 = tpu.memref_slice %arg3[%add3A, %mul3A_70, %dma_start3A_168] : memref<32x128x128xi32, #tpu.memory_space<hbm>> -> memref<1x64x128xi32, #tpu.memory_space<hbm>>
        %dma_start3A_170 = tpu.memref_squeeze %dma_start3A_169 : memref<1x64x128xi32, #tpu.memory_space<hbm>> -> memref<64x128xi32, #tpu.memory_space<hbm>>
        %dma_start3A_171 = arith.constant 0 : i32
        %dma_start3A_172 = tpu.memref_slice %arg3[%add3A, %mul3A_70, %dma_start3A_171] : memref<32x128x128xi32, #tpu.memory_space<hbm>> -> memref<1x64x128xi32, #tpu.memory_space<hbm>>
        %dma_start3A_173 = tpu.memref_squeeze %dma_start3A_172 : memref<1x64x128xi32, #tpu.memory_space<hbm>> -> memref<64x128xi32, #tpu.memory_space<hbm>>
        tpu.enqueue_dma source(%dma_start3A_173 : memref<64x128xi32, #tpu.memory_space<hbm>>) target(%arg6 : memref<64x128xi32, #tpu.memory_space<vmem>>) target_semaphore(%run_scoped3A : memref<!tpu.dma_semaphore, #tpu.memory_space<semaphore_mem>>)
        %dma_wait3A_174 = arith.constant 0 : i32
        %dma_wait3A_175 = tpu.memref_slice %arg3[%add3A, %mul3A_70, %dma_wait3A_174] : memref<32x128x128xi32, #tpu.memory_space<hbm>> -> memref<1x64x128xi32, #tpu.memory_space<hbm>>
        %dma_wait3A_176 = tpu.memref_squeeze %dma_wait3A_175 : memref<1x64x128xi32, #tpu.memory_space<hbm>> -> memref<64x128xi32, #tpu.memory_space<hbm>>
        %dma_wait3A_177 = arith.constant 0 : i32
        %dma_wait3A_178 = tpu.memref_slice %arg3[%add3A, %mul3A_70, %dma_wait3A_177] : memref<32x128x128xi32, #tpu.memory_space<hbm>> -> memref<1x64x128xi32, #tpu.memory_space<hbm>>
        %dma_wait3A_179 = tpu.memref_squeeze %dma_wait3A_178 : memref<1x64x128xi32, #tpu.memory_space<hbm>> -> memref<64x128xi32, #tpu.memory_space<hbm>>
        tpu.wait_dma2 semaphore(%run_scoped3A : memref<!tpu.dma_semaphore, #tpu.memory_space<semaphore_mem>>) src(%dma_wait3A_179 : memref<64x128xi32, #tpu.memory_space<hbm>>) dst(%arg6 : memref<64x128xi32, #tpu.memory_space<vmem>>)
        tpu.yield
      }) : () -> ()
      %mul3A_71 = arith.constant 64 : i32
      %mul3A_72 = arith.muli %while3A_67, %mul3A_71 : i32
      "tpu.region"() ({
        %run_scoped3A = tpu.sem_alloc : memref<!tpu.dma_semaphore, #tpu.memory_space<semaphore_mem>>
        %dma_start3A_168 = arith.constant 0 : i32
        %dma_start3A_169 = tpu.memref_slice %arg4[%add3A, %mul3A_72, %dma_start3A_168] : memref<32x128x128xi32, #tpu.memory_space<hbm>> -> memref<1x64x128xi32, #tpu.memory_space<hbm>>
        %dma_start3A_170 = tpu.memref_squeeze %dma_start3A_169 : memref<1x64x128xi32, #tpu.memory_space<hbm>> -> memref<64x128xi32, #tpu.memory_space<hbm>>
        %dma_start3A_171 = arith.constant 0 : i32
        %dma_start3A_172 = tpu.memref_slice %arg4[%add3A, %mul3A_72, %dma_start3A_171] : memref<32x128x128xi32, #tpu.memory_space<hbm>> -> memref<1x64x128xi32, #tpu.memory_space<hbm>>
        %dma_start3A_173 = tpu.memref_squeeze %dma_start3A_172 : memref<1x64x128xi32, #tpu.memory_space<hbm>> -> memref<64x128xi32, #tpu.memory_space<hbm>>
        tpu.enqueue_dma source(%dma_start3A_173 : memref<64x128xi32, #tpu.memory_space<hbm>>) target(%arg7 : memref<64x128xi32, #tpu.memory_space<vmem>>) target_semaphore(%run_scoped3A : memref<!tpu.dma_semaphore, #tpu.memory_space<semaphore_mem>>)
        %dma_wait3A_174 = arith.constant 0 : i32
        %dma_wait3A_175 = tpu.memref_slice %arg4[%add3A, %mul3A_72, %dma_wait3A_174] : memref<32x128x128xi32, #tpu.memory_space<hbm>> -> memref<1x64x128xi32, #tpu.memory_space<hbm>>
        %dma_wait3A_176 = tpu.memref_squeeze %dma_wait3A_175 : memref<1x64x128xi32, #tpu.memory_space<hbm>> -> memref<64x128xi32, #tpu.memory_space<hbm>>
        %dma_wait3A_177 = arith.constant 0 : i32
        %dma_wait3A_178 = tpu.memref_slice %arg4[%add3A, %mul3A_72, %dma_wait3A_177] : memref<32x128x128xi32, #tpu.memory_space<hbm>> -> memref<1x64x128xi32, #tpu.memory_space<hbm>>
        %dma_wait3A_179 = tpu.memref_squeeze %dma_wait3A_178 : memref<1x64x128xi32, #tpu.memory_space<hbm>> -> memref<64x128xi32, #tpu.memory_space<hbm>>
        tpu.wait_dma2 semaphore(%run_scoped3A : memref<!tpu.dma_semaphore, #tpu.memory_space<semaphore_mem>>) src(%dma_wait3A_179 : memref<64x128xi32, #tpu.memory_space<hbm>>) dst(%arg7 : memref<64x128xi32, #tpu.memory_space<vmem>>)
        tpu.yield
      }) : () -> ()
      %mul3A_73 = arith.constant 64 : i32
      %mul3A_74 = arith.muli %while3A_67, %mul3A_73 : i32
      %sub3A_75 = arith.subi %select_n3A, %mul3A_74 : i32
      %min3A = arith.constant 64 : i32
      %min3A_76 = arith.minsi %min3A, %sub3A_75 : i32
      %jit3A_77 = arith.constant 2 : i32
      %div3A_78 = arith.divsi %min3A_76, %jit3A_77 : i32
      %sign3A_79 = arith.constant 0 : i32
      %sign3A_80 = arith.cmpi sgt, %min3A_76, %sign3A_79 : i32
      %sign3A_81 = arith.extui %sign3A_80 : i1 to i32
      %sign3A_82 = arith.constant 0 : i32
      %sign3A_83 = arith.cmpi slt, %min3A_76, %sign3A_82 : i32
      %sign3A_84 = arith.extui %sign3A_83 : i1 to i32
      %sign3A_85 = arith.subi %sign3A_81, %sign3A_84 : i32
      %sign3A_86 = arith.constant 0 : i32
      %sign3A_87 = arith.cmpi sgt, %jit3A_77, %sign3A_86 : i32
      %sign3A_88 = arith.extui %sign3A_87 : i1 to i32
      %sign3A_89 = arith.constant 0 : i32
      %sign3A_90 = arith.cmpi slt, %jit3A_77, %sign3A_89 : i32
      %sign3A_91 = arith.extui %sign3A_90 : i1 to i32
      %sign3A_92 = arith.subi %sign3A_88, %sign3A_91 : i32
      %ne3A_93 = arith.cmpi ne, %sign3A_85, %sign3A_92 : i32
      %rem3A_94 = arith.remsi %min3A_76, %jit3A_77 : i32
      %ne3A_95 = arith.constant 0 : i32
      %ne3A_96 = arith.cmpi ne, %rem3A_94, %ne3A_95 : i32
      %and3A_97 = arith.andi %ne3A_93, %ne3A_96 : i1
      %sub3A_98 = arith.constant 1 : i32
      %sub3A_99 = arith.subi %div3A_78, %sub3A_98 : i32
      %select_n3A_100 = arith.select %and3A_97, %sub3A_99, %div3A_78 : i32
      %dma_start3A = arith.constant 0 : i32
      %dma_start3A_101 = arith.constant 0 : i32
      %dma_start3A_102 = tpu.memref_slice %arg6[%dma_start3A, %dma_start3A_101] : memref<64x128xi32, #tpu.memory_space<vmem>> -> memref<1x128xi32, #tpu.memory_space<vmem>>
      %dma_start3A_103 = tpu.memref_squeeze %dma_start3A_102 : memref<1x128xi32, #tpu.memory_space<vmem>> -> memref<128xi32, #tpu.memory_space<vmem>>
      %dma_start3A_104 = arith.constant 0 : i32
      %dma_start3A_105 = arith.constant 0 : i32
      %dma_start3A_106 = tpu.memref_slice %arg2[%dma_start3A_104, %dma_start3A_105] : memref<10000x128xf32, #tpu.memory_space<hbm>> -> memref<10000x128xf32, #tpu.memory_space<hbm>>
      tpu.enqueue_indirect_dma source(%dma_start3A_106 : memref<10000x128xf32, #tpu.memory_space<hbm>>) target(%arg8 : memref<128x128xf32, #tpu.memory_space<vmem>>) offsets(%dma_start3A_103 : memref<128xi32, #tpu.memory_space<vmem>>) semaphore(%arg11 : memref<!tpu.dma_semaphore, #tpu.memory_space<semaphore_mem>>)
      %dma_wait3A = arith.constant 0 : i32
      %dma_wait3A_107 = arith.constant 0 : i32
      %dma_wait3A_108 = tpu.memref_slice %arg6[%dma_wait3A, %dma_wait3A_107] : memref<64x128xi32, #tpu.memory_space<vmem>> -> memref<1x128xi32, #tpu.memory_space<vmem>>
      %dma_wait3A_109 = tpu.memref_squeeze %dma_wait3A_108 : memref<1x128xi32, #tpu.memory_space<vmem>> -> memref<128xi32, #tpu.memory_space<vmem>>
      %dma_wait3A_110 = arith.constant 0 : i32
      %dma_wait3A_111 = arith.constant 0 : i32
      %dma_wait3A_112 = tpu.memref_slice %arg2[%dma_wait3A_110, %dma_wait3A_111] : memref<10000x128xf32, #tpu.memory_space<hbm>> -> memref<10000x128xf32, #tpu.memory_space<hbm>>
      tpu.wait_indirect_dma semaphore(%arg11 : memref<!tpu.dma_semaphore, #tpu.memory_space<semaphore_mem>>) src(%dma_wait3A_112 : memref<10000x128xf32, #tpu.memory_space<hbm>>) dst(%arg8 : memref<128x128xf32, #tpu.memory_space<vmem>>)
      %dma_start3A_113 = arith.constant 0 : i32
      %dma_start3A_114 = arith.constant 0 : i32
      %dma_start3A_115 = tpu.memref_slice %arg7[%dma_start3A_113, %dma_start3A_114] : memref<64x128xi32, #tpu.memory_space<vmem>> -> memref<1x128xi32, #tpu.memory_space<vmem>>
      %dma_start3A_116 = tpu.memref_squeeze %dma_start3A_115 : memref<1x128xi32, #tpu.memory_space<vmem>> -> memref<128xi32, #tpu.memory_space<vmem>>
      %dma_start3A_117 = arith.constant 0 : i32
      %dma_start3A_118 = arith.constant 0 : i32
      %dma_start3A_119 = tpu.memref_slice %arg10[%dma_start3A_117, %dma_start3A_118] : memref<10112x128xf32, #tpu.memory_space<vmem_shared>> -> memref<10112x128xf32, #tpu.memory_space<vmem_shared>>
      tpu.enqueue_indirect_dma source(%arg8 : memref<128x128xf32, #tpu.memory_space<vmem>>) target(%dma_start3A_119 : memref<10112x128xf32, #tpu.memory_space<vmem_shared>>) offsets(%dma_start3A_116 : memref<128xi32, #tpu.memory_space<vmem>>) semaphore(%arg13 : memref<!tpu.dma_semaphore, #tpu.memory_space<semaphore_mem>>) {add = true}
      %dma_start3A_120 = arith.constant 1 : i32
      %dma_start3A_121 = arith.constant 0 : i32
      %dma_start3A_122 = tpu.memref_slice %arg6[%dma_start3A_120, %dma_start3A_121] : memref<64x128xi32, #tpu.memory_space<vmem>> -> memref<1x128xi32, #tpu.memory_space<vmem>>
      %dma_start3A_123 = tpu.memref_squeeze %dma_start3A_122 : memref<1x128xi32, #tpu.memory_space<vmem>> -> memref<128xi32, #tpu.memory_space<vmem>>
      %dma_start3A_124 = arith.constant 0 : i32
      %dma_start3A_125 = arith.constant 0 : i32
      %dma_start3A_126 = tpu.memref_slice %arg2[%dma_start3A_124, %dma_start3A_125] : memref<10000x128xf32, #tpu.memory_space<hbm>> -> memref<10000x128xf32, #tpu.memory_space<hbm>>
      tpu.enqueue_indirect_dma source(%dma_start3A_126 : memref<10000x128xf32, #tpu.memory_space<hbm>>) target(%arg9 : memref<128x128xf32, #tpu.memory_space<vmem>>) offsets(%dma_start3A_123 : memref<128xi32, #tpu.memory_space<vmem>>) semaphore(%arg12 : memref<!tpu.dma_semaphore, #tpu.memory_space<semaphore_mem>>)
      %dma_wait3A_127 = arith.constant 1 : i32
      %dma_wait3A_128 = arith.constant 0 : i32
      %dma_wait3A_129 = tpu.memref_slice %arg6[%dma_wait3A_127, %dma_wait3A_128] : memref<64x128xi32, #tpu.memory_space<vmem>> -> memref<1x128xi32, #tpu.memory_space<vmem>>
      %dma_wait3A_130 = tpu.memref_squeeze %dma_wait3A_129 : memref<1x128xi32, #tpu.memory_space<vmem>> -> memref<128xi32, #tpu.memory_space<vmem>>
      %dma_wait3A_131 = arith.constant 0 : i32
      %dma_wait3A_132 = arith.constant 0 : i32
      %dma_wait3A_133 = tpu.memref_slice %arg2[%dma_wait3A_131, %dma_wait3A_132] : memref<10000x128xf32, #tpu.memory_space<hbm>> -> memref<10000x128xf32, #tpu.memory_space<hbm>>
      tpu.wait_indirect_dma semaphore(%arg12 : memref<!tpu.dma_semaphore, #tpu.memory_space<semaphore_mem>>) src(%dma_wait3A_133 : memref<10000x128xf32, #tpu.memory_space<hbm>>) dst(%arg9 : memref<128x128xf32, #tpu.memory_space<vmem>>)
      %dma_start3A_134 = arith.constant 1 : i32
      %dma_start3A_135 = arith.constant 0 : i32
      %dma_start3A_136 = tpu.memref_slice %arg7[%dma_start3A_134, %dma_start3A_135] : memref<64x128xi32, #tpu.memory_space<vmem>> -> memref<1x128xi32, #tpu.memory_space<vmem>>
      %dma_start3A_137 = tpu.memref_squeeze %dma_start3A_136 : memref<1x128xi32, #tpu.memory_space<vmem>> -> memref<128xi32, #tpu.memory_space<vmem>>
      %dma_start3A_138 = arith.constant 0 : i32
      %dma_start3A_139 = arith.constant 0 : i32
      %dma_start3A_140 = tpu.memref_slice %arg10[%dma_start3A_138, %dma_start3A_139] : memref<10112x128xf32, #tpu.memory_space<vmem_shared>> -> memref<10112x128xf32, #tpu.memory_space<vmem_shared>>
      tpu.enqueue_indirect_dma source(%arg9 : memref<128x128xf32, #tpu.memory_space<vmem>>) target(%dma_start3A_140 : memref<10112x128xf32, #tpu.memory_space<vmem_shared>>) offsets(%dma_start3A_137 : memref<128xi32, #tpu.memory_space<vmem>>) semaphore(%arg14 : memref<!tpu.dma_semaphore, #tpu.memory_space<semaphore_mem>>) {add = true}
      %while3A_141 = arith.constant 1 : i32
      %while3A_142 = arith.constant 0 : i32
      %while3A_143 = arith.subi %select_n3A_100, %while3A_141 : i32
      %while3A_144 = arith.addi %while3A_141, %while3A_143 : i32
      %while3A_145 = arith.constant 1 : i32
      %while3A_146 = arith.divsi %while3A_143, %while3A_145 : i32
      %while3A_147 = arith.muli %while3A_146, %while3A_145 : i32
      %while3A_148 = arith.addi %while3A_141, %while3A_147 : i32
      %while3A_149 = arith.constant 1 : i32
      %while3A_150 = scf.for %while3A_168 = %while3A_141 to %while3A_148 step %while3A_149 iter_args(%while3A_169 = %while3A_142) -> (i32)  : i32 {
        %dma_wait3A_170 = arith.constant 0 : i32
        %dma_wait3A_171 = arith.constant 0 : i32
        %dma_wait3A_172 = tpu.memref_slice %arg7[%dma_wait3A_170, %dma_wait3A_171] : memref<64x128xi32, #tpu.memory_space<vmem>> -> memref<1x128xi32, #tpu.memory_space<vmem>>
        %dma_wait3A_173 = tpu.memref_squeeze %dma_wait3A_172 : memref<1x128xi32, #tpu.memory_space<vmem>> -> memref<128xi32, #tpu.memory_space<vmem>>
        %dma_wait3A_174 = arith.constant 0 : i32
        %dma_wait3A_175 = arith.constant 0 : i32
        %dma_wait3A_176 = tpu.memref_slice %arg10[%dma_wait3A_174, %dma_wait3A_175] : memref<10112x128xf32, #tpu.memory_space<vmem_shared>> -> memref<10112x128xf32, #tpu.memory_space<vmem_shared>>
        tpu.wait_indirect_dma semaphore(%arg13 : memref<!tpu.dma_semaphore, #tpu.memory_space<semaphore_mem>>) src(%arg8 : memref<128x128xf32, #tpu.memory_space<vmem>>) dst(%dma_wait3A_176 : memref<10112x128xf32, #tpu.memory_space<vmem_shared>>)
        %mul3A_177 = arith.constant 2 : i32
        %mul3A_178 = arith.muli %mul3A_177, %while3A_168 : i32
        %dma_start3A_179 = arith.constant 0 : i32
        %dma_start3A_180 = tpu.memref_slice %arg6[%mul3A_178, %dma_start3A_179] : memref<64x128xi32, #tpu.memory_space<vmem>> -> memref<1x128xi32, #tpu.memory_space<vmem>>
        %dma_start3A_181 = tpu.memref_squeeze %dma_start3A_180 : memref<1x128xi32, #tpu.memory_space<vmem>> -> memref<128xi32, #tpu.memory_space<vmem>>
        %dma_start3A_182 = arith.constant 0 : i32
        %dma_start3A_183 = arith.constant 0 : i32
        %dma_start3A_184 = tpu.memref_slice %arg2[%dma_start3A_182, %dma_start3A_183] : memref<10000x128xf32, #tpu.memory_space<hbm>> -> memref<10000x128xf32, #tpu.memory_space<hbm>>
        tpu.enqueue_indirect_dma source(%dma_start3A_184 : memref<10000x128xf32, #tpu.memory_space<hbm>>) target(%arg8 : memref<128x128xf32, #tpu.memory_space<vmem>>) offsets(%dma_start3A_181 : memref<128xi32, #tpu.memory_space<vmem>>) semaphore(%arg11 : memref<!tpu.dma_semaphore, #tpu.memory_space<semaphore_mem>>)
        %dma_wait3A_185 = arith.constant 0 : i32
        %dma_wait3A_186 = tpu.memref_slice %arg6[%mul3A_178, %dma_wait3A_185] : memref<64x128xi32, #tpu.memory_space<vmem>> -> memref<1x128xi32, #tpu.memory_space<vmem>>
        %dma_wait3A_187 = tpu.memref_squeeze %dma_wait3A_186 : memref<1x128xi32, #tpu.memory_space<vmem>> -> memref<128xi32, #tpu.memory_space<vmem>>
        %dma_wait3A_188 = arith.constant 0 : i32
        %dma_wait3A_189 = arith.constant 0 : i32
        %dma_wait3A_190 = tpu.memref_slice %arg2[%dma_wait3A_188, %dma_wait3A_189] : memref<10000x128xf32, #tpu.memory_space<hbm>> -> memref<10000x128xf32, #tpu.memory_space<hbm>>
        tpu.wait_indirect_dma semaphore(%arg11 : memref<!tpu.dma_semaphore, #tpu.memory_space<semaphore_mem>>) src(%dma_wait3A_190 : memref<10000x128xf32, #tpu.memory_space<hbm>>) dst(%arg8 : memref<128x128xf32, #tpu.memory_space<vmem>>)
        %mul3A_191 = arith.constant 2 : i32
        %mul3A_192 = arith.muli %mul3A_191, %while3A_168 : i32
        %dma_start3A_193 = arith.constant 0 : i32
        %dma_start3A_194 = tpu.memref_slice %arg7[%mul3A_192, %dma_start3A_193] : memref<64x128xi32, #tpu.memory_space<vmem>> -> memref<1x128xi32, #tpu.memory_space<vmem>>
        %dma_start3A_195 = tpu.memref_squeeze %dma_start3A_194 : memref<1x128xi32, #tpu.memory_space<vmem>> -> memref<128xi32, #tpu.memory_space<vmem>>
        %dma_start3A_196 = arith.constant 0 : i32
        %dma_start3A_197 = arith.constant 0 : i32
        %dma_start3A_198 = tpu.memref_slice %arg10[%dma_start3A_196, %dma_start3A_197] : memref<10112x128xf32, #tpu.memory_space<vmem_shared>> -> memref<10112x128xf32, #tpu.memory_space<vmem_shared>>
        tpu.enqueue_indirect_dma source(%arg8 : memref<128x128xf32, #tpu.memory_space<vmem>>) target(%dma_start3A_198 : memref<10112x128xf32, #tpu.memory_space<vmem_shared>>) offsets(%dma_start3A_195 : memref<128xi32, #tpu.memory_space<vmem>>) semaphore(%arg13 : memref<!tpu.dma_semaphore, #tpu.memory_space<semaphore_mem>>) {add = true}
        %dma_wait3A_199 = arith.constant 0 : i32
        %dma_wait3A_200 = arith.constant 0 : i32
        %dma_wait3A_201 = tpu.memref_slice %arg7[%dma_wait3A_199, %dma_wait3A_200] : memref<64x128xi32, #tpu.memory_space<vmem>> -> memref<1x128xi32, #tpu.memory_space<vmem>>
        %dma_wait3A_202 = tpu.memref_squeeze %dma_wait3A_201 : memref<1x128xi32, #tpu.memory_space<vmem>> -> memref<128xi32, #tpu.memory_space<vmem>>
        %dma_wait3A_203 = arith.constant 0 : i32
        %dma_wait3A_204 = arith.constant 0 : i32
        %dma_wait3A_205 = tpu.memref_slice %arg10[%dma_wait3A_203, %dma_wait3A_204] : memref<10112x128xf32, #tpu.memory_space<vmem_shared>> -> memref<10112x128xf32, #tpu.memory_space<vmem_shared>>
        tpu.wait_indirect_dma semaphore(%arg14 : memref<!tpu.dma_semaphore, #tpu.memory_space<semaphore_mem>>) src(%arg9 : memref<128x128xf32, #tpu.memory_space<vmem>>) dst(%dma_wait3A_205 : memref<10112x128xf32, #tpu.memory_space<vmem_shared>>)
        %mul3A_206 = arith.constant 2 : i32
        %mul3A_207 = arith.muli %mul3A_206, %while3A_168 : i32
        %add3A_208 = arith.constant 1 : i32
        %add3A_209 = arith.addi %mul3A_207, %add3A_208 : i32
        %dma_start3A_210 = arith.constant 0 : i32
        %dma_start3A_211 = tpu.memref_slice %arg6[%add3A_209, %dma_start3A_210] : memref<64x128xi32, #tpu.memory_space<vmem>> -> memref<1x128xi32, #tpu.memory_space<vmem>>
        %dma_start3A_212 = tpu.memref_squeeze %dma_start3A_211 : memref<1x128xi32, #tpu.memory_space<vmem>> -> memref<128xi32, #tpu.memory_space<vmem>>
        %dma_start3A_213 = arith.constant 0 : i32
        %dma_start3A_214 = arith.constant 0 : i32
        %dma_start3A_215 = tpu.memref_slice %arg2[%dma_start3A_213, %dma_start3A_214] : memref<10000x128xf32, #tpu.memory_space<hbm>> -> memref<10000x128xf32, #tpu.memory_space<hbm>>
        tpu.enqueue_indirect_dma source(%dma_start3A_215 : memref<10000x128xf32, #tpu.memory_space<hbm>>) target(%arg9 : memref<128x128xf32, #tpu.memory_space<vmem>>) offsets(%dma_start3A_212 : memref<128xi32, #tpu.memory_space<vmem>>) semaphore(%arg12 : memref<!tpu.dma_semaphore, #tpu.memory_space<semaphore_mem>>)
        %dma_wait3A_216 = arith.constant 0 : i32
        %dma_wait3A_217 = tpu.memref_slice %arg6[%add3A_209, %dma_wait3A_216] : memref<64x128xi32, #tpu.memory_space<vmem>> -> memref<1x128xi32, #tpu.memory_space<vmem>>
        %dma_wait3A_218 = tpu.memref_squeeze %dma_wait3A_217 : memref<1x128xi32, #tpu.memory_space<vmem>> -> memref<128xi32, #tpu.memory_space<vmem>>
        %dma_wait3A_219 = arith.constant 0 : i32
        %dma_wait3A_220 = arith.constant 0 : i32
        %dma_wait3A_221 = tpu.memref_slice %arg2[%dma_wait3A_219, %dma_wait3A_220] : memref<10000x128xf32, #tpu.memory_space<hbm>> -> memref<10000x128xf32, #tpu.memory_space<hbm>>
        tpu.wait_indirect_dma semaphore(%arg12 : memref<!tpu.dma_semaphore, #tpu.memory_space<semaphore_mem>>) src(%dma_wait3A_221 : memref<10000x128xf32, #tpu.memory_space<hbm>>) dst(%arg9 : memref<128x128xf32, #tpu.memory_space<vmem>>)
        %mul3A_222 = arith.constant 2 : i32
        %mul3A_223 = arith.muli %mul3A_222, %while3A_168 : i32
        %add3A_224 = arith.constant 1 : i32
        %add3A_225 = arith.addi %mul3A_223, %add3A_224 : i32
        %dma_start3A_226 = arith.constant 0 : i32
        %dma_start3A_227 = tpu.memref_slice %arg7[%add3A_225, %dma_start3A_226] : memref<64x128xi32, #tpu.memory_space<vmem>> -> memref<1x128xi32, #tpu.memory_space<vmem>>
        %dma_start3A_228 = tpu.memref_squeeze %dma_start3A_227 : memref<1x128xi32, #tpu.memory_space<vmem>> -> memref<128xi32, #tpu.memory_space<vmem>>
        %dma_start3A_229 = arith.constant 0 : i32
        %dma_start3A_230 = arith.constant 0 : i32
        %dma_start3A_231 = tpu.memref_slice %arg10[%dma_start3A_229, %dma_start3A_230] : memref<10112x128xf32, #tpu.memory_space<vmem_shared>> -> memref<10112x128xf32, #tpu.memory_space<vmem_shared>>
        tpu.enqueue_indirect_dma source(%arg9 : memref<128x128xf32, #tpu.memory_space<vmem>>) target(%dma_start3A_231 : memref<10112x128xf32, #tpu.memory_space<vmem_shared>>) offsets(%dma_start3A_228 : memref<128xi32, #tpu.memory_space<vmem>>) semaphore(%arg14 : memref<!tpu.dma_semaphore, #tpu.memory_space<semaphore_mem>>) {add = true}
        %while3A_232 = arith.constant 0 : i32
        scf.yield %while3A_232 : i32
      }
      %while3A_151 = arith.constant 1 : i32
      %while3A_152 = scf.for %while3A_168 = %while3A_148 to %while3A_144 step %while3A_151 iter_args(%while3A_169 = %while3A_150) -> (i32)  : i32 {
        %dma_wait3A_170 = arith.constant 0 : i32
        %dma_wait3A_171 = arith.constant 0 : i32
        %dma_wait3A_172 = tpu.memref_slice %arg7[%dma_wait3A_170, %dma_wait3A_171] : memref<64x128xi32, #tpu.memory_space<vmem>> -> memref<1x128xi32, #tpu.memory_space<vmem>>
        %dma_wait3A_173 = tpu.memref_squeeze %dma_wait3A_172 : memref<1x128xi32, #tpu.memory_space<vmem>> -> memref<128xi32, #tpu.memory_space<vmem>>
        %dma_wait3A_174 = arith.constant 0 : i32
        %dma_wait3A_175 = arith.constant 0 : i32
        %dma_wait3A_176 = tpu.memref_slice %arg10[%dma_wait3A_174, %dma_wait3A_175] : memref<10112x128xf32, #tpu.memory_space<vmem_shared>> -> memref<10112x128xf32, #tpu.memory_space<vmem_shared>>
        tpu.wait_indirect_dma semaphore(%arg13 : memref<!tpu.dma_semaphore, #tpu.memory_space<semaphore_mem>>) src(%arg8 : memref<128x128xf32, #tpu.memory_space<vmem>>) dst(%dma_wait3A_176 : memref<10112x128xf32, #tpu.memory_space<vmem_shared>>)
        %mul3A_177 = arith.constant 2 : i32
        %mul3A_178 = arith.muli %mul3A_177, %while3A_168 : i32
        %dma_start3A_179 = arith.constant 0 : i32
        %dma_start3A_180 = tpu.memref_slice %arg6[%mul3A_178, %dma_start3A_179] : memref<64x128xi32, #tpu.memory_space<vmem>> -> memref<1x128xi32, #tpu.memory_space<vmem>>
        %dma_start3A_181 = tpu.memref_squeeze %dma_start3A_180 : memref<1x128xi32, #tpu.memory_space<vmem>> -> memref<128xi32, #tpu.memory_space<vmem>>
        %dma_start3A_182 = arith.constant 0 : i32
        %dma_start3A_183 = arith.constant 0 : i32
        %dma_start3A_184 = tpu.memref_slice %arg2[%dma_start3A_182, %dma_start3A_183] : memref<10000x128xf32, #tpu.memory_space<hbm>> -> memref<10000x128xf32, #tpu.memory_space<hbm>>
        tpu.enqueue_indirect_dma source(%dma_start3A_184 : memref<10000x128xf32, #tpu.memory_space<hbm>>) target(%arg8 : memref<128x128xf32, #tpu.memory_space<vmem>>) offsets(%dma_start3A_181 : memref<128xi32, #tpu.memory_space<vmem>>) semaphore(%arg11 : memref<!tpu.dma_semaphore, #tpu.memory_space<semaphore_mem>>)
        %dma_wait3A_185 = arith.constant 0 : i32
        %dma_wait3A_186 = tpu.memref_slice %arg6[%mul3A_178, %dma_wait3A_185] : memref<64x128xi32, #tpu.memory_space<vmem>> -> memref<1x128xi32, #tpu.memory_space<vmem>>
        %dma_wait3A_187 = tpu.memref_squeeze %dma_wait3A_186 : memref<1x128xi32, #tpu.memory_space<vmem>> -> memref<128xi32, #tpu.memory_space<vmem>>
        %dma_wait3A_188 = arith.constant 0 : i32
        %dma_wait3A_189 = arith.constant 0 : i32
        %dma_wait3A_190 = tpu.memref_slice %arg2[%dma_wait3A_188, %dma_wait3A_189] : memref<10000x128xf32, #tpu.memory_space<hbm>> -> memref<10000x128xf32, #tpu.memory_space<hbm>>
        tpu.wait_indirect_dma semaphore(%arg11 : memref<!tpu.dma_semaphore, #tpu.memory_space<semaphore_mem>>) src(%dma_wait3A_190 : memref<10000x128xf32, #tpu.memory_space<hbm>>) dst(%arg8 : memref<128x128xf32, #tpu.memory_space<vmem>>)
        %mul3A_191 = arith.constant 2 : i32
        %mul3A_192 = arith.muli %mul3A_191, %while3A_168 : i32
        %dma_start3A_193 = arith.constant 0 : i32
        %dma_start3A_194 = tpu.memref_slice %arg7[%mul3A_192, %dma_start3A_193] : memref<64x128xi32, #tpu.memory_space<vmem>> -> memref<1x128xi32, #tpu.memory_space<vmem>>
        %dma_start3A_195 = tpu.memref_squeeze %dma_start3A_194 : memref<1x128xi32, #tpu.memory_space<vmem>> -> memref<128xi32, #tpu.memory_space<vmem>>
        %dma_start3A_196 = arith.constant 0 : i32
        %dma_start3A_197 = arith.constant 0 : i32
        %dma_start3A_198 = tpu.memref_slice %arg10[%dma_start3A_196, %dma_start3A_197] : memref<10112x128xf32, #tpu.memory_space<vmem_shared>> -> memref<10112x128xf32, #tpu.memory_space<vmem_shared>>
        tpu.enqueue_indirect_dma source(%arg8 : memref<128x128xf32, #tpu.memory_space<vmem>>) target(%dma_start3A_198 : memref<10112x128xf32, #tpu.memory_space<vmem_shared>>) offsets(%dma_start3A_195 : memref<128xi32, #tpu.memory_space<vmem>>) semaphore(%arg13 : memref<!tpu.dma_semaphore, #tpu.memory_space<semaphore_mem>>) {add = true}
        %dma_wait3A_199 = arith.constant 0 : i32
        %dma_wait3A_200 = arith.constant 0 : i32
        %dma_wait3A_201 = tpu.memref_slice %arg7[%dma_wait3A_199, %dma_wait3A_200] : memref<64x128xi32, #tpu.memory_space<vmem>> -> memref<1x128xi32, #tpu.memory_space<vmem>>
        %dma_wait3A_202 = tpu.memref_squeeze %dma_wait3A_201 : memref<1x128xi32, #tpu.memory_space<vmem>> -> memref<128xi32, #tpu.memory_space<vmem>>
        %dma_wait3A_203 = arith.constant 0 : i32
        %dma_wait3A_204 = arith.constant 0 : i32
        %dma_wait3A_205 = tpu.memref_slice %arg10[%dma_wait3A_203, %dma_wait3A_204] : memref<10112x128xf32, #tpu.memory_space<vmem_shared>> -> memref<10112x128xf32, #tpu.memory_space<vmem_shared>>
        tpu.wait_indirect_dma semaphore(%arg14 : memref<!tpu.dma_semaphore, #tpu.memory_space<semaphore_mem>>) src(%arg9 : memref<128x128xf32, #tpu.memory_space<vmem>>) dst(%dma_wait3A_205 : memref<10112x128xf32, #tpu.memory_space<vmem_shared>>)
        %mul3A_206 = arith.constant 2 : i32
        %mul3A_207 = arith.muli %mul3A_206, %while3A_168 : i32
        %add3A_208 = arith.constant 1 : i32
        %add3A_209 = arith.addi %mul3A_207, %add3A_208 : i32
        %dma_start3A_210 = arith.constant 0 : i32
        %dma_start3A_211 = tpu.memref_slice %arg6[%add3A_209, %dma_start3A_210] : memref<64x128xi32, #tpu.memory_space<vmem>> -> memref<1x128xi32, #tpu.memory_space<vmem>>
        %dma_start3A_212 = tpu.memref_squeeze %dma_start3A_211 : memref<1x128xi32, #tpu.memory_space<vmem>> -> memref<128xi32, #tpu.memory_space<vmem>>
        %dma_start3A_213 = arith.constant 0 : i32
        %dma_start3A_214 = arith.constant 0 : i32
        %dma_start3A_215 = tpu.memref_slice %arg2[%dma_start3A_213, %dma_start3A_214] : memref<10000x128xf32, #tpu.memory_space<hbm>> -> memref<10000x128xf32, #tpu.memory_space<hbm>>
        tpu.enqueue_indirect_dma source(%dma_start3A_215 : memref<10000x128xf32, #tpu.memory_space<hbm>>) target(%arg9 : memref<128x128xf32, #tpu.memory_space<vmem>>) offsets(%dma_start3A_212 : memref<128xi32, #tpu.memory_space<vmem>>) semaphore(%arg12 : memref<!tpu.dma_semaphore, #tpu.memory_space<semaphore_mem>>)
        %dma_wait3A_216 = arith.constant 0 : i32
        %dma_wait3A_217 = tpu.memref_slice %arg6[%add3A_209, %dma_wait3A_216] : memref<64x128xi32, #tpu.memory_space<vmem>> -> memref<1x128xi32, #tpu.memory_space<vmem>>
        %dma_wait3A_218 = tpu.memref_squeeze %dma_wait3A_217 : memref<1x128xi32, #tpu.memory_space<vmem>> -> memref<128xi32, #tpu.memory_space<vmem>>
        %dma_wait3A_219 = arith.constant 0 : i32
        %dma_wait3A_220 = arith.constant 0 : i32
        %dma_wait3A_221 = tpu.memref_slice %arg2[%dma_wait3A_219, %dma_wait3A_220] : memref<10000x128xf32, #tpu.memory_space<hbm>> -> memref<10000x128xf32, #tpu.memory_space<hbm>>
        tpu.wait_indirect_dma semaphore(%arg12 : memref<!tpu.dma_semaphore, #tpu.memory_space<semaphore_mem>>) src(%dma_wait3A_221 : memref<10000x128xf32, #tpu.memory_space<hbm>>) dst(%arg9 : memref<128x128xf32, #tpu.memory_space<vmem>>)
        %mul3A_222 = arith.constant 2 : i32
        %mul3A_223 = arith.muli %mul3A_222, %while3A_168 : i32
        %add3A_224 = arith.constant 1 : i32
        %add3A_225 = arith.addi %mul3A_223, %add3A_224 : i32
        %dma_start3A_226 = arith.constant 0 : i32
        %dma_start3A_227 = tpu.memref_slice %arg7[%add3A_225, %dma_start3A_226] : memref<64x128xi32, #tpu.memory_space<vmem>> -> memref<1x128xi32, #tpu.memory_space<vmem>>
        %dma_start3A_228 = tpu.memref_squeeze %dma_start3A_227 : memref<1x128xi32, #tpu.memory_space<vmem>> -> memref<128xi32, #tpu.memory_space<vmem>>
        %dma_start3A_229 = arith.constant 0 : i32
        %dma_start3A_230 = arith.constant 0 : i32
        %dma_start3A_231 = tpu.memref_slice %arg10[%dma_start3A_229, %dma_start3A_230] : memref<10112x128xf32, #tpu.memory_space<vmem_shared>> -> memref<10112x128xf32, #tpu.memory_space<vmem_shared>>
        tpu.enqueue_indirect_dma source(%arg9 : memref<128x128xf32, #tpu.memory_space<vmem>>) target(%dma_start3A_231 : memref<10112x128xf32, #tpu.memory_space<vmem_shared>>) offsets(%dma_start3A_228 : memref<128xi32, #tpu.memory_space<vmem>>) semaphore(%arg14 : memref<!tpu.dma_semaphore, #tpu.memory_space<semaphore_mem>>) {add = true}
        %while3A_232 = arith.constant 0 : i32
        scf.yield %while3A_232 : i32
      }
      %dma_wait3A_153 = arith.constant 0 : i32
      %dma_wait3A_154 = arith.constant 0 : i32
      %dma_wait3A_155 = tpu.memref_slice %arg7[%dma_wait3A_153, %dma_wait3A_154] : memref<64x128xi32, #tpu.memory_space<vmem>> -> memref<1x128xi32, #tpu.memory_space<vmem>>
      %dma_wait3A_156 = tpu.memref_squeeze %dma_wait3A_155 : memref<1x128xi32, #tpu.memory_space<vmem>> -> memref<128xi32, #tpu.memory_space<vmem>>
      %dma_wait3A_157 = arith.constant 0 : i32
      %dma_wait3A_158 = arith.constant 0 : i32
      %dma_wait3A_159 = tpu.memref_slice %arg10[%dma_wait3A_157, %dma_wait3A_158] : memref<10112x128xf32, #tpu.memory_space<vmem_shared>> -> memref<10112x128xf32, #tpu.memory_space<vmem_shared>>
      tpu.wait_indirect_dma semaphore(%arg13 : memref<!tpu.dma_semaphore, #tpu.memory_space<semaphore_mem>>) src(%arg8 : memref<128x128xf32, #tpu.memory_space<vmem>>) dst(%dma_wait3A_159 : memref<10112x128xf32, #tpu.memory_space<vmem_shared>>)
      %dma_wait3A_160 = arith.constant 0 : i32
      %dma_wait3A_161 = arith.constant 0 : i32
      %dma_wait3A_162 = tpu.memref_slice %arg7[%dma_wait3A_160, %dma_wait3A_161] : memref<64x128xi32, #tpu.memory_space<vmem>> -> memref<1x128xi32, #tpu.memory_space<vmem>>
      %dma_wait3A_163 = tpu.memref_squeeze %dma_wait3A_162 : memref<1x128xi32, #tpu.memory_space<vmem>> -> memref<128xi32, #tpu.memory_space<vmem>>
      %dma_wait3A_164 = arith.constant 0 : i32
      %dma_wait3A_165 = arith.constant 0 : i32
      %dma_wait3A_166 = tpu.memref_slice %arg10[%dma_wait3A_164, %dma_wait3A_165] : memref<10112x128xf32, #tpu.memory_space<vmem_shared>> -> memref<10112x128xf32, #tpu.memory_space<vmem_shared>>
      tpu.wait_indirect_dma semaphore(%arg14 : memref<!tpu.dma_semaphore, #tpu.memory_space<semaphore_mem>>) src(%arg9 : memref<128x128xf32, #tpu.memory_space<vmem>>) dst(%dma_wait3A_166 : memref<10112x128xf32, #tpu.memory_space<vmem_shared>>)
      %while3A_167 = arith.constant 0 : i32
      scf.yield %while3A_167 : i32
    }
    %while3A_60 = arith.constant 1 : i32
    %while3A_61 = scf.for %while3A_67 = %while3A_57 to %while3A_53 step %while3A_60 iter_args(%while3A_68 = %while3A_59) -> (i32)  : i32 {
      %mul3A_69 = arith.constant 64 : i32
      %mul3A_70 = arith.muli %while3A_67, %mul3A_69 : i32
      "tpu.region"() ({
        %run_scoped3A = tpu.sem_alloc : memref<!tpu.dma_semaphore, #tpu.memory_space<semaphore_mem>>
        %dma_start3A_168 = arith.constant 0 : i32
        %dma_start3A_169 = tpu.memref_slice %arg3[%add3A, %mul3A_70, %dma_start3A_168] : memref<32x128x128xi32, #tpu.memory_space<hbm>> -> memref<1x64x128xi32, #tpu.memory_space<hbm>>
        %dma_start3A_170 = tpu.memref_squeeze %dma_start3A_169 : memref<1x64x128xi32, #tpu.memory_space<hbm>> -> memref<64x128xi32, #tpu.memory_space<hbm>>
        %dma_start3A_171 = arith.constant 0 : i32
        %dma_start3A_172 = tpu.memref_slice %arg3[%add3A, %mul3A_70, %dma_start3A_171] : memref<32x128x128xi32, #tpu.memory_space<hbm>> -> memref<1x64x128xi32, #tpu.memory_space<hbm>>
        %dma_start3A_173 = tpu.memref_squeeze %dma_start3A_172 : memref<1x64x128xi32, #tpu.memory_space<hbm>> -> memref<64x128xi32, #tpu.memory_space<hbm>>
        tpu.enqueue_dma source(%dma_start3A_173 : memref<64x128xi32, #tpu.memory_space<hbm>>) target(%arg6 : memref<64x128xi32, #tpu.memory_space<vmem>>) target_semaphore(%run_scoped3A : memref<!tpu.dma_semaphore, #tpu.memory_space<semaphore_mem>>)
        %dma_wait3A_174 = arith.constant 0 : i32
        %dma_wait3A_175 = tpu.memref_slice %arg3[%add3A, %mul3A_70, %dma_wait3A_174] : memref<32x128x128xi32, #tpu.memory_space<hbm>> -> memref<1x64x128xi32, #tpu.memory_space<hbm>>
        %dma_wait3A_176 = tpu.memref_squeeze %dma_wait3A_175 : memref<1x64x128xi32, #tpu.memory_space<hbm>> -> memref<64x128xi32, #tpu.memory_space<hbm>>
        %dma_wait3A_177 = arith.constant 0 : i32
        %dma_wait3A_178 = tpu.memref_slice %arg3[%add3A, %mul3A_70, %dma_wait3A_177] : memref<32x128x128xi32, #tpu.memory_space<hbm>> -> memref<1x64x128xi32, #tpu.memory_space<hbm>>
        %dma_wait3A_179 = tpu.memref_squeeze %dma_wait3A_178 : memref<1x64x128xi32, #tpu.memory_space<hbm>> -> memref<64x128xi32, #tpu.memory_space<hbm>>
        tpu.wait_dma2 semaphore(%run_scoped3A : memref<!tpu.dma_semaphore, #tpu.memory_space<semaphore_mem>>) src(%dma_wait3A_179 : memref<64x128xi32, #tpu.memory_space<hbm>>) dst(%arg6 : memref<64x128xi32, #tpu.memory_space<vmem>>)
        tpu.yield
      }) : () -> ()
      %mul3A_71 = arith.constant 64 : i32
      %mul3A_72 = arith.muli %while3A_67, %mul3A_71 : i32
      "tpu.region"() ({
        %run_scoped3A = tpu.sem_alloc : memref<!tpu.dma_semaphore, #tpu.memory_space<semaphore_mem>>
        %dma_start3A_168 = arith.constant 0 : i32
        %dma_start3A_169 = tpu.memref_slice %arg4[%add3A, %mul3A_72, %dma_start3A_168] : memref<32x128x128xi32, #tpu.memory_space<hbm>> -> memref<1x64x128xi32, #tpu.memory_space<hbm>>
        %dma_start3A_170 = tpu.memref_squeeze %dma_start3A_169 : memref<1x64x128xi32, #tpu.memory_space<hbm>> -> memref<64x128xi32, #tpu.memory_space<hbm>>
        %dma_start3A_171 = arith.constant 0 : i32
        %dma_start3A_172 = tpu.memref_slice %arg4[%add3A, %mul3A_72, %dma_start3A_171] : memref<32x128x128xi32, #tpu.memory_space<hbm>> -> memref<1x64x128xi32, #tpu.memory_space<hbm>>
        %dma_start3A_173 = tpu.memref_squeeze %dma_start3A_172 : memref<1x64x128xi32, #tpu.memory_space<hbm>> -> memref<64x128xi32, #tpu.memory_space<hbm>>
        tpu.enqueue_dma source(%dma_start3A_173 : memref<64x128xi32, #tpu.memory_space<hbm>>) target(%arg7 : memref<64x128xi32, #tpu.memory_space<vmem>>) target_semaphore(%run_scoped3A : memref<!tpu.dma_semaphore, #tpu.memory_space<semaphore_mem>>)
        %dma_wait3A_174 = arith.constant 0 : i32
        %dma_wait3A_175 = tpu.memref_slice %arg4[%add3A, %mul3A_72, %dma_wait3A_174] : memref<32x128x128xi32, #tpu.memory_space<hbm>> -> memref<1x64x128xi32, #tpu.memory_space<hbm>>
        %dma_wait3A_176 = tpu.memref_squeeze %dma_wait3A_175 : memref<1x64x128xi32, #tpu.memory_space<hbm>> -> memref<64x128xi32, #tpu.memory_space<hbm>>
        %dma_wait3A_177 = arith.constant 0 : i32
        %dma_wait3A_178 = tpu.memref_slice %arg4[%add3A, %mul3A_72, %dma_wait3A_177] : memref<32x128x128xi32, #tpu.memory_space<hbm>> -> memref<1x64x128xi32, #tpu.memory_space<hbm>>
        %dma_wait3A_179 = tpu.memref_squeeze %dma_wait3A_178 : memref<1x64x128xi32, #tpu.memory_space<hbm>> -> memref<64x128xi32, #tpu.memory_space<hbm>>
        tpu.wait_dma2 semaphore(%run_scoped3A : memref<!tpu.dma_semaphore, #tpu.memory_space<semaphore_mem>>) src(%dma_wait3A_179 : memref<64x128xi32, #tpu.memory_space<hbm>>) dst(%arg7 : memref<64x128xi32, #tpu.memory_space<vmem>>)
        tpu.yield
      }) : () -> ()
      %mul3A_73 = arith.constant 64 : i32
      %mul3A_74 = arith.muli %while3A_67, %mul3A_73 : i32
      %sub3A_75 = arith.subi %select_n3A, %mul3A_74 : i32
      %min3A = arith.constant 64 : i32
      %min3A_76 = arith.minsi %min3A, %sub3A_75 : i32
      %jit3A_77 = arith.constant 2 : i32
      %div3A_78 = arith.divsi %min3A_76, %jit3A_77 : i32
      %sign3A_79 = arith.constant 0 : i32
      %sign3A_80 = arith.cmpi sgt, %min3A_76, %sign3A_79 : i32
      %sign3A_81 = arith.extui %sign3A_80 : i1 to i32
      %sign3A_82 = arith.constant 0 : i32
      %sign3A_83 = arith.cmpi slt, %min3A_76, %sign3A_82 : i32
      %sign3A_84 = arith.extui %sign3A_83 : i1 to i32
      %sign3A_85 = arith.subi %sign3A_81, %sign3A_84 : i32
      %sign3A_86 = arith.constant 0 : i32
      %sign3A_87 = arith.cmpi sgt, %jit3A_77, %sign3A_86 : i32
      %sign3A_88 = arith.extui %sign3A_87 : i1 to i32
      %sign3A_89 = arith.constant 0 : i32
      %sign3A_90 = arith.cmpi slt, %jit3A_77, %sign3A_89 : i32
      %sign3A_91 = arith.extui %sign3A_90 : i1 to i32
      %sign3A_92 = arith.subi %sign3A_88, %sign3A_91 : i32
      %ne3A_93 = arith.cmpi ne, %sign3A_85, %sign3A_92 : i32
      %rem3A_94 = arith.remsi %min3A_76, %jit3A_77 : i32
      %ne3A_95 = arith.constant 0 : i32
      %ne3A_96 = arith.cmpi ne, %rem3A_94, %ne3A_95 : i32
      %and3A_97 = arith.andi %ne3A_93, %ne3A_96 : i1
      %sub3A_98 = arith.constant 1 : i32
      %sub3A_99 = arith.subi %div3A_78, %sub3A_98 : i32
      %select_n3A_100 = arith.select %and3A_97, %sub3A_99, %div3A_78 : i32
      %dma_start3A = arith.constant 0 : i32
      %dma_start3A_101 = arith.constant 0 : i32
      %dma_start3A_102 = tpu.memref_slice %arg6[%dma_start3A, %dma_start3A_101] : memref<64x128xi32, #tpu.memory_space<vmem>> -> memref<1x128xi32, #tpu.memory_space<vmem>>
      %dma_start3A_103 = tpu.memref_squeeze %dma_start3A_102 : memref<1x128xi32, #tpu.memory_space<vmem>> -> memref<128xi32, #tpu.memory_space<vmem>>
      %dma_start3A_104 = arith.constant 0 : i32
      %dma_start3A_105 = arith.constant 0 : i32
      %dma_start3A_106 = tpu.memref_slice %arg2[%dma_start3A_104, %dma_start3A_105] : memref<10000x128xf32, #tpu.memory_space<hbm>> -> memref<10000x128xf32, #tpu.memory_space<hbm>>
      tpu.enqueue_indirect_dma source(%dma_start3A_106 : memref<10000x128xf32, #tpu.memory_space<hbm>>) target(%arg8 : memref<128x128xf32, #tpu.memory_space<vmem>>) offsets(%dma_start3A_103 : memref<128xi32, #tpu.memory_space<vmem>>) semaphore(%arg11 : memref<!tpu.dma_semaphore, #tpu.memory_space<semaphore_mem>>)
      %dma_wait3A = arith.constant 0 : i32
      %dma_wait3A_107 = arith.constant 0 : i32
      %dma_wait3A_108 = tpu.memref_slice %arg6[%dma_wait3A, %dma_wait3A_107] : memref<64x128xi32, #tpu.memory_space<vmem>> -> memref<1x128xi32, #tpu.memory_space<vmem>>
      %dma_wait3A_109 = tpu.memref_squeeze %dma_wait3A_108 : memref<1x128xi32, #tpu.memory_space<vmem>> -> memref<128xi32, #tpu.memory_space<vmem>>
      %dma_wait3A_110 = arith.constant 0 : i32
      %dma_wait3A_111 = arith.constant 0 : i32
      %dma_wait3A_112 = tpu.memref_slice %arg2[%dma_wait3A_110, %dma_wait3A_111] : memref<10000x128xf32, #tpu.memory_space<hbm>> -> memref<10000x128xf32, #tpu.memory_space<hbm>>
      tpu.wait_indirect_dma semaphore(%arg11 : memref<!tpu.dma_semaphore, #tpu.memory_space<semaphore_mem>>) src(%dma_wait3A_112 : memref<10000x128xf32, #tpu.memory_space<hbm>>) dst(%arg8 : memref<128x128xf32, #tpu.memory_space<vmem>>)
      %dma_start3A_113 = arith.constant 0 : i32
      %dma_start3A_114 = arith.constant 0 : i32
      %dma_start3A_115 = tpu.memref_slice %arg7[%dma_start3A_113, %dma_start3A_114] : memref<64x128xi32, #tpu.memory_space<vmem>> -> memref<1x128xi32, #tpu.memory_space<vmem>>
      %dma_start3A_116 = tpu.memref_squeeze %dma_start3A_115 : memref<1x128xi32, #tpu.memory_space<vmem>> -> memref<128xi32, #tpu.memory_space<vmem>>
      %dma_start3A_117 = arith.constant 0 : i32
      %dma_start3A_118 = arith.constant 0 : i32
      %dma_start3A_119 = tpu.memref_slice %arg10[%dma_start3A_117, %dma_start3A_118] : memref<10112x128xf32, #tpu.memory_space<vmem_shared>> -> memref<10112x128xf32, #tpu.memory_space<vmem_shared>>
      tpu.enqueue_indirect_dma source(%arg8 : memref<128x128xf32, #tpu.memory_space<vmem>>) target(%dma_start3A_119 : memref<10112x128xf32, #tpu.memory_space<vmem_shared>>) offsets(%dma_start3A_116 : memref<128xi32, #tpu.memory_space<vmem>>) semaphore(%arg13 : memref<!tpu.dma_semaphore, #tpu.memory_space<semaphore_mem>>) {add = true}
      %dma_start3A_120 = arith.constant 1 : i32
      %dma_start3A_121 = arith.constant 0 : i32
      %dma_start3A_122 = tpu.memref_slice %arg6[%dma_start3A_120, %dma_start3A_121] : memref<64x128xi32, #tpu.memory_space<vmem>> -> memref<1x128xi32, #tpu.memory_space<vmem>>
      %dma_start3A_123 = tpu.memref_squeeze %dma_start3A_122 : memref<1x128xi32, #tpu.memory_space<vmem>> -> memref<128xi32, #tpu.memory_space<vmem>>
      %dma_start3A_124 = arith.constant 0 : i32
      %dma_start3A_125 = arith.constant 0 : i32
      %dma_start3A_126 = tpu.memref_slice %arg2[%dma_start3A_124, %dma_start3A_125] : memref<10000x128xf32, #tpu.memory_space<hbm>> -> memref<10000x128xf32, #tpu.memory_space<hbm>>
      tpu.enqueue_indirect_dma source(%dma_start3A_126 : memref<10000x128xf32, #tpu.memory_space<hbm>>) target(%arg9 : memref<128x128xf32, #tpu.memory_space<vmem>>) offsets(%dma_start3A_123 : memref<128xi32, #tpu.memory_space<vmem>>) semaphore(%arg12 : memref<!tpu.dma_semaphore, #tpu.memory_space<semaphore_mem>>)
      %dma_wait3A_127 = arith.constant 1 : i32
      %dma_wait3A_128 = arith.constant 0 : i32
      %dma_wait3A_129 = tpu.memref_slice %arg6[%dma_wait3A_127, %dma_wait3A_128] : memref<64x128xi32, #tpu.memory_space<vmem>> -> memref<1x128xi32, #tpu.memory_space<vmem>>
      %dma_wait3A_130 = tpu.memref_squeeze %dma_wait3A_129 : memref<1x128xi32, #tpu.memory_space<vmem>> -> memref<128xi32, #tpu.memory_space<vmem>>
      %dma_wait3A_131 = arith.constant 0 : i32
      %dma_wait3A_132 = arith.constant 0 : i32
      %dma_wait3A_133 = tpu.memref_slice %arg2[%dma_wait3A_131, %dma_wait3A_132] : memref<10000x128xf32, #tpu.memory_space<hbm>> -> memref<10000x128xf32, #tpu.memory_space<hbm>>
      tpu.wait_indirect_dma semaphore(%arg12 : memref<!tpu.dma_semaphore, #tpu.memory_space<semaphore_mem>>) src(%dma_wait3A_133 : memref<10000x128xf32, #tpu.memory_space<hbm>>) dst(%arg9 : memref<128x128xf32, #tpu.memory_space<vmem>>)
      %dma_start3A_134 = arith.constant 1 : i32
      %dma_start3A_135 = arith.constant 0 : i32
      %dma_start3A_136 = tpu.memref_slice %arg7[%dma_start3A_134, %dma_start3A_135] : memref<64x128xi32, #tpu.memory_space<vmem>> -> memref<1x128xi32, #tpu.memory_space<vmem>>
      %dma_start3A_137 = tpu.memref_squeeze %dma_start3A_136 : memref<1x128xi32, #tpu.memory_space<vmem>> -> memref<128xi32, #tpu.memory_space<vmem>>
      %dma_start3A_138 = arith.constant 0 : i32
      %dma_start3A_139 = arith.constant 0 : i32
      %dma_start3A_140 = tpu.memref_slice %arg10[%dma_start3A_138, %dma_start3A_139] : memref<10112x128xf32, #tpu.memory_space<vmem_shared>> -> memref<10112x128xf32, #tpu.memory_space<vmem_shared>>
      tpu.enqueue_indirect_dma source(%arg9 : memref<128x128xf32, #tpu.memory_space<vmem>>) target(%dma_start3A_140 : memref<10112x128xf32, #tpu.memory_space<vmem_shared>>) offsets(%dma_start3A_137 : memref<128xi32, #tpu.memory_space<vmem>>) semaphore(%arg14 : memref<!tpu.dma_semaphore, #tpu.memory_space<semaphore_mem>>) {add = true}
      %while3A_141 = arith.constant 1 : i32
      %while3A_142 = arith.constant 0 : i32
      %while3A_143 = arith.subi %select_n3A_100, %while3A_141 : i32
      %while3A_144 = arith.addi %while3A_141, %while3A_143 : i32
      %while3A_145 = arith.constant 1 : i32
      %while3A_146 = arith.divsi %while3A_143, %while3A_145 : i32
      %while3A_147 = arith.muli %while3A_146, %while3A_145 : i32
      %while3A_148 = arith.addi %while3A_141, %while3A_147 : i32
      %while3A_149 = arith.constant 1 : i32
      %while3A_150 = scf.for %while3A_168 = %while3A_141 to %while3A_148 step %while3A_149 iter_args(%while3A_169 = %while3A_142) -> (i32)  : i32 {
        %dma_wait3A_170 = arith.constant 0 : i32
        %dma_wait3A_171 = arith.constant 0 : i32
        %dma_wait3A_172 = tpu.memref_slice %arg7[%dma_wait3A_170, %dma_wait3A_171] : memref<64x128xi32, #tpu.memory_space<vmem>> -> memref<1x128xi32, #tpu.memory_space<vmem>>
        %dma_wait3A_173 = tpu.memref_squeeze %dma_wait3A_172 : memref<1x128xi32, #tpu.memory_space<vmem>> -> memref<128xi32, #tpu.memory_space<vmem>>
        %dma_wait3A_174 = arith.constant 0 : i32
        %dma_wait3A_175 = arith.constant 0 : i32
        %dma_wait3A_176 = tpu.memref_slice %arg10[%dma_wait3A_174, %dma_wait3A_175] : memref<10112x128xf32, #tpu.memory_space<vmem_shared>> -> memref<10112x128xf32, #tpu.memory_space<vmem_shared>>
        tpu.wait_indirect_dma semaphore(%arg13 : memref<!tpu.dma_semaphore, #tpu.memory_space<semaphore_mem>>) src(%arg8 : memref<128x128xf32, #tpu.memory_space<vmem>>) dst(%dma_wait3A_176 : memref<10112x128xf32, #tpu.memory_space<vmem_shared>>)
        %mul3A_177 = arith.constant 2 : i32
        %mul3A_178 = arith.muli %mul3A_177, %while3A_168 : i32
        %dma_start3A_179 = arith.constant 0 : i32
        %dma_start3A_180 = tpu.memref_slice %arg6[%mul3A_178, %dma_start3A_179] : memref<64x128xi32, #tpu.memory_space<vmem>> -> memref<1x128xi32, #tpu.memory_space<vmem>>
        %dma_start3A_181 = tpu.memref_squeeze %dma_start3A_180 : memref<1x128xi32, #tpu.memory_space<vmem>> -> memref<128xi32, #tpu.memory_space<vmem>>
        %dma_start3A_182 = arith.constant 0 : i32
        %dma_start3A_183 = arith.constant 0 : i32
        %dma_start3A_184 = tpu.memref_slice %arg2[%dma_start3A_182, %dma_start3A_183] : memref<10000x128xf32, #tpu.memory_space<hbm>> -> memref<10000x128xf32, #tpu.memory_space<hbm>>
        tpu.enqueue_indirect_dma source(%dma_start3A_184 : memref<10000x128xf32, #tpu.memory_space<hbm>>) target(%arg8 : memref<128x128xf32, #tpu.memory_space<vmem>>) offsets(%dma_start3A_181 : memref<128xi32, #tpu.memory_space<vmem>>) semaphore(%arg11 : memref<!tpu.dma_semaphore, #tpu.memory_space<semaphore_mem>>)
        %dma_wait3A_185 = arith.constant 0 : i32
        %dma_wait3A_186 = tpu.memref_slice %arg6[%mul3A_178, %dma_wait3A_185] : memref<64x128xi32, #tpu.memory_space<vmem>> -> memref<1x128xi32, #tpu.memory_space<vmem>>
        %dma_wait3A_187 = tpu.memref_squeeze %dma_wait3A_186 : memref<1x128xi32, #tpu.memory_space<vmem>> -> memref<128xi32, #tpu.memory_space<vmem>>
        %dma_wait3A_188 = arith.constant 0 : i32
        %dma_wait3A_189 = arith.constant 0 : i32
        %dma_wait3A_190 = tpu.memref_slice %arg2[%dma_wait3A_188, %dma_wait3A_189] : memref<10000x128xf32, #tpu.memory_space<hbm>> -> memref<10000x128xf32, #tpu.memory_space<hbm>>
        tpu.wait_indirect_dma semaphore(%arg11 : memref<!tpu.dma_semaphore, #tpu.memory_space<semaphore_mem>>) src(%dma_wait3A_190 : memref<10000x128xf32, #tpu.memory_space<hbm>>) dst(%arg8 : memref<128x128xf32, #tpu.memory_space<vmem>>)
        %mul3A_191 = arith.constant 2 : i32
        %mul3A_192 = arith.muli %mul3A_191, %while3A_168 : i32
        %dma_start3A_193 = arith.constant 0 : i32
        %dma_start3A_194 = tpu.memref_slice %arg7[%mul3A_192, %dma_start3A_193] : memref<64x128xi32, #tpu.memory_space<vmem>> -> memref<1x128xi32, #tpu.memory_space<vmem>>
        %dma_start3A_195 = tpu.memref_squeeze %dma_start3A_194 : memref<1x128xi32, #tpu.memory_space<vmem>> -> memref<128xi32, #tpu.memory_space<vmem>>
        %dma_start3A_196 = arith.constant 0 : i32
        %dma_start3A_197 = arith.constant 0 : i32
        %dma_start3A_198 = tpu.memref_slice %arg10[%dma_start3A_196, %dma_start3A_197] : memref<10112x128xf32, #tpu.memory_space<vmem_shared>> -> memref<10112x128xf32, #tpu.memory_space<vmem_shared>>
        tpu.enqueue_indirect_dma source(%arg8 : memref<128x128xf32, #tpu.memory_space<vmem>>) target(%dma_start3A_198 : memref<10112x128xf32, #tpu.memory_space<vmem_shared>>) offsets(%dma_start3A_195 : memref<128xi32, #tpu.memory_space<vmem>>) semaphore(%arg13 : memref<!tpu.dma_semaphore, #tpu.memory_space<semaphore_mem>>) {add = true}
        %dma_wait3A_199 = arith.constant 0 : i32
        %dma_wait3A_200 = arith.constant 0 : i32
        %dma_wait3A_201 = tpu.memref_slice %arg7[%dma_wait3A_199, %dma_wait3A_200] : memref<64x128xi32, #tpu.memory_space<vmem>> -> memref<1x128xi32, #tpu.memory_space<vmem>>
        %dma_wait3A_202 = tpu.memref_squeeze %dma_wait3A_201 : memref<1x128xi32, #tpu.memory_space<vmem>> -> memref<128xi32, #tpu.memory_space<vmem>>
        %dma_wait3A_203 = arith.constant 0 : i32
        %dma_wait3A_204 = arith.constant 0 : i32
        %dma_wait3A_205 = tpu.memref_slice %arg10[%dma_wait3A_203, %dma_wait3A_204] : memref<10112x128xf32, #tpu.memory_space<vmem_shared>> -> memref<10112x128xf32, #tpu.memory_space<vmem_shared>>
        tpu.wait_indirect_dma semaphore(%arg14 : memref<!tpu.dma_semaphore, #tpu.memory_space<semaphore_mem>>) src(%arg9 : memref<128x128xf32, #tpu.memory_space<vmem>>) dst(%dma_wait3A_205 : memref<10112x128xf32, #tpu.memory_space<vmem_shared>>)
        %mul3A_206 = arith.constant 2 : i32
        %mul3A_207 = arith.muli %mul3A_206, %while3A_168 : i32
        %add3A_208 = arith.constant 1 : i32
        %add3A_209 = arith.addi %mul3A_207, %add3A_208 : i32
        %dma_start3A_210 = arith.constant 0 : i32
        %dma_start3A_211 = tpu.memref_slice %arg6[%add3A_209, %dma_start3A_210] : memref<64x128xi32, #tpu.memory_space<vmem>> -> memref<1x128xi32, #tpu.memory_space<vmem>>
        %dma_start3A_212 = tpu.memref_squeeze %dma_start3A_211 : memref<1x128xi32, #tpu.memory_space<vmem>> -> memref<128xi32, #tpu.memory_space<vmem>>
        %dma_start3A_213 = arith.constant 0 : i32
        %dma_start3A_214 = arith.constant 0 : i32
        %dma_start3A_215 = tpu.memref_slice %arg2[%dma_start3A_213, %dma_start3A_214] : memref<10000x128xf32, #tpu.memory_space<hbm>> -> memref<10000x128xf32, #tpu.memory_space<hbm>>
        tpu.enqueue_indirect_dma source(%dma_start3A_215 : memref<10000x128xf32, #tpu.memory_space<hbm>>) target(%arg9 : memref<128x128xf32, #tpu.memory_space<vmem>>) offsets(%dma_start3A_212 : memref<128xi32, #tpu.memory_space<vmem>>) semaphore(%arg12 : memref<!tpu.dma_semaphore, #tpu.memory_space<semaphore_mem>>)
        %dma_wait3A_216 = arith.constant 0 : i32
        %dma_wait3A_217 = tpu.memref_slice %arg6[%add3A_209, %dma_wait3A_216] : memref<64x128xi32, #tpu.memory_space<vmem>> -> memref<1x128xi32, #tpu.memory_space<vmem>>
        %dma_wait3A_218 = tpu.memref_squeeze %dma_wait3A_217 : memref<1x128xi32, #tpu.memory_space<vmem>> -> memref<128xi32, #tpu.memory_space<vmem>>
        %dma_wait3A_219 = arith.constant 0 : i32
        %dma_wait3A_220 = arith.constant 0 : i32
        %dma_wait3A_221 = tpu.memref_slice %arg2[%dma_wait3A_219, %dma_wait3A_220] : memref<10000x128xf32, #tpu.memory_space<hbm>> -> memref<10000x128xf32, #tpu.memory_space<hbm>>
        tpu.wait_indirect_dma semaphore(%arg12 : memref<!tpu.dma_semaphore, #tpu.memory_space<semaphore_mem>>) src(%dma_wait3A_221 : memref<10000x128xf32, #tpu.memory_space<hbm>>) dst(%arg9 : memref<128x128xf32, #tpu.memory_space<vmem>>)
        %mul3A_222 = arith.constant 2 : i32
        %mul3A_223 = arith.muli %mul3A_222, %while3A_168 : i32
        %add3A_224 = arith.constant 1 : i32
        %add3A_225 = arith.addi %mul3A_223, %add3A_224 : i32
        %dma_start3A_226 = arith.constant 0 : i32
        %dma_start3A_227 = tpu.memref_slice %arg7[%add3A_225, %dma_start3A_226] : memref<64x128xi32, #tpu.memory_space<vmem>> -> memref<1x128xi32, #tpu.memory_space<vmem>>
        %dma_start3A_228 = tpu.memref_squeeze %dma_start3A_227 : memref<1x128xi32, #tpu.memory_space<vmem>> -> memref<128xi32, #tpu.memory_space<vmem>>
        %dma_start3A_229 = arith.constant 0 : i32
        %dma_start3A_230 = arith.constant 0 : i32
        %dma_start3A_231 = tpu.memref_slice %arg10[%dma_start3A_229, %dma_start3A_230] : memref<10112x128xf32, #tpu.memory_space<vmem_shared>> -> memref<10112x128xf32, #tpu.memory_space<vmem_shared>>
        tpu.enqueue_indirect_dma source(%arg9 : memref<128x128xf32, #tpu.memory_space<vmem>>) target(%dma_start3A_231 : memref<10112x128xf32, #tpu.memory_space<vmem_shared>>) offsets(%dma_start3A_228 : memref<128xi32, #tpu.memory_space<vmem>>) semaphore(%arg14 : memref<!tpu.dma_semaphore, #tpu.memory_space<semaphore_mem>>) {add = true}
        %while3A_232 = arith.constant 0 : i32
        scf.yield %while3A_232 : i32
      }
      %while3A_151 = arith.constant 1 : i32
      %while3A_152 = scf.for %while3A_168 = %while3A_148 to %while3A_144 step %while3A_151 iter_args(%while3A_169 = %while3A_150) -> (i32)  : i32 {
        %dma_wait3A_170 = arith.constant 0 : i32
        %dma_wait3A_171 = arith.constant 0 : i32
        %dma_wait3A_172 = tpu.memref_slice %arg7[%dma_wait3A_170, %dma_wait3A_171] : memref<64x128xi32, #tpu.memory_space<vmem>> -> memref<1x128xi32, #tpu.memory_space<vmem>>
        %dma_wait3A_173 = tpu.memref_squeeze %dma_wait3A_172 : memref<1x128xi32, #tpu.memory_space<vmem>> -> memref<128xi32, #tpu.memory_space<vmem>>
        %dma_wait3A_174 = arith.constant 0 : i32
        %dma_wait3A_175 = arith.constant 0 : i32
        %dma_wait3A_176 = tpu.memref_slice %arg10[%dma_wait3A_174, %dma_wait3A_175] : memref<10112x128xf32, #tpu.memory_space<vmem_shared>> -> memref<10112x128xf32, #tpu.memory_space<vmem_shared>>
        tpu.wait_indirect_dma semaphore(%arg13 : memref<!tpu.dma_semaphore, #tpu.memory_space<semaphore_mem>>) src(%arg8 : memref<128x128xf32, #tpu.memory_space<vmem>>) dst(%dma_wait3A_176 : memref<10112x128xf32, #tpu.memory_space<vmem_shared>>)
        %mul3A_177 = arith.constant 2 : i32
        %mul3A_178 = arith.muli %mul3A_177, %while3A_168 : i32
        %dma_start3A_179 = arith.constant 0 : i32
        %dma_start3A_180 = tpu.memref_slice %arg6[%mul3A_178, %dma_start3A_179] : memref<64x128xi32, #tpu.memory_space<vmem>> -> memref<1x128xi32, #tpu.memory_space<vmem>>
        %dma_start3A_181 = tpu.memref_squeeze %dma_start3A_180 : memref<1x128xi32, #tpu.memory_space<vmem>> -> memref<128xi32, #tpu.memory_space<vmem>>
        %dma_start3A_182 = arith.constant 0 : i32
        %dma_start3A_183 = arith.constant 0 : i32
        %dma_start3A_184 = tpu.memref_slice %arg2[%dma_start3A_182, %dma_start3A_183] : memref<10000x128xf32, #tpu.memory_space<hbm>> -> memref<10000x128xf32, #tpu.memory_space<hbm>>
        tpu.enqueue_indirect_dma source(%dma_start3A_184 : memref<10000x128xf32, #tpu.memory_space<hbm>>) target(%arg8 : memref<128x128xf32, #tpu.memory_space<vmem>>) offsets(%dma_start3A_181 : memref<128xi32, #tpu.memory_space<vmem>>) semaphore(%arg11 : memref<!tpu.dma_semaphore, #tpu.memory_space<semaphore_mem>>)
        %dma_wait3A_185 = arith.constant 0 : i32
        %dma_wait3A_186 = tpu.memref_slice %arg6[%mul3A_178, %dma_wait3A_185] : memref<64x128xi32, #tpu.memory_space<vmem>> -> memref<1x128xi32, #tpu.memory_space<vmem>>
        %dma_wait3A_187 = tpu.memref_squeeze %dma_wait3A_186 : memref<1x128xi32, #tpu.memory_space<vmem>> -> memref<128xi32, #tpu.memory_space<vmem>>
        %dma_wait3A_188 = arith.constant 0 : i32
        %dma_wait3A_189 = arith.constant 0 : i32
        %dma_wait3A_190 = tpu.memref_slice %arg2[%dma_wait3A_188, %dma_wait3A_189] : memref<10000x128xf32, #tpu.memory_space<hbm>> -> memref<10000x128xf32, #tpu.memory_space<hbm>>
        tpu.wait_indirect_dma semaphore(%arg11 : memref<!tpu.dma_semaphore, #tpu.memory_space<semaphore_mem>>) src(%dma_wait3A_190 : memref<10000x128xf32, #tpu.memory_space<hbm>>) dst(%arg8 : memref<128x128xf32, #tpu.memory_space<vmem>>)
        %mul3A_191 = arith.constant 2 : i32
        %mul3A_192 = arith.muli %mul3A_191, %while3A_168 : i32
        %dma_start3A_193 = arith.constant 0 : i32
        %dma_start3A_194 = tpu.memref_slice %arg7[%mul3A_192, %dma_start3A_193] : memref<64x128xi32, #tpu.memory_space<vmem>> -> memref<1x128xi32, #tpu.memory_space<vmem>>
        %dma_start3A_195 = tpu.memref_squeeze %dma_start3A_194 : memref<1x128xi32, #tpu.memory_space<vmem>> -> memref<128xi32, #tpu.memory_space<vmem>>
        %dma_start3A_196 = arith.constant 0 : i32
        %dma_start3A_197 = arith.constant 0 : i32
        %dma_start3A_198 = tpu.memref_slice %arg10[%dma_start3A_196, %dma_start3A_197] : memref<10112x128xf32, #tpu.memory_space<vmem_shared>> -> memref<10112x128xf32, #tpu.memory_space<vmem_shared>>
        tpu.enqueue_indirect_dma source(%arg8 : memref<128x128xf32, #tpu.memory_space<vmem>>) target(%dma_start3A_198 : memref<10112x128xf32, #tpu.memory_space<vmem_shared>>) offsets(%dma_start3A_195 : memref<128xi32, #tpu.memory_space<vmem>>) semaphore(%arg13 : memref<!tpu.dma_semaphore, #tpu.memory_space<semaphore_mem>>) {add = true}
        %dma_wait3A_199 = arith.constant 0 : i32
        %dma_wait3A_200 = arith.constant 0 : i32
        %dma_wait3A_201 = tpu.memref_slice %arg7[%dma_wait3A_199, %dma_wait3A_200] : memref<64x128xi32, #tpu.memory_space<vmem>> -> memref<1x128xi32, #tpu.memory_space<vmem>>
        %dma_wait3A_202 = tpu.memref_squeeze %dma_wait3A_201 : memref<1x128xi32, #tpu.memory_space<vmem>> -> memref<128xi32, #tpu.memory_space<vmem>>
        %dma_wait3A_203 = arith.constant 0 : i32
        %dma_wait3A_204 = arith.constant 0 : i32
        %dma_wait3A_205 = tpu.memref_slice %arg10[%dma_wait3A_203, %dma_wait3A_204] : memref<10112x128xf32, #tpu.memory_space<vmem_shared>> -> memref<10112x128xf32, #tpu.memory_space<vmem_shared>>
        tpu.wait_indirect_dma semaphore(%arg14 : memref<!tpu.dma_semaphore, #tpu.memory_space<semaphore_mem>>) src(%arg9 : memref<128x128xf32, #tpu.memory_space<vmem>>) dst(%dma_wait3A_205 : memref<10112x128xf32, #tpu.memory_space<vmem_shared>>)
        %mul3A_206 = arith.constant 2 : i32
        %mul3A_207 = arith.muli %mul3A_206, %while3A_168 : i32
        %add3A_208 = arith.constant 1 : i32
        %add3A_209 = arith.addi %mul3A_207, %add3A_208 : i32
        %dma_start3A_210 = arith.constant 0 : i32
        %dma_start3A_211 = tpu.memref_slice %arg6[%add3A_209, %dma_start3A_210] : memref<64x128xi32, #tpu.memory_space<vmem>> -> memref<1x128xi32, #tpu.memory_space<vmem>>
        %dma_start3A_212 = tpu.memref_squeeze %dma_start3A_211 : memref<1x128xi32, #tpu.memory_space<vmem>> -> memref<128xi32, #tpu.memory_space<vmem>>
        %dma_start3A_213 = arith.constant 0 : i32
        %dma_start3A_214 = arith.constant 0 : i32
        %dma_start3A_215 = tpu.memref_slice %arg2[%dma_start3A_213, %dma_start3A_214] : memref<10000x128xf32, #tpu.memory_space<hbm>> -> memref<10000x128xf32, #tpu.memory_space<hbm>>
        tpu.enqueue_indirect_dma source(%dma_start3A_215 : memref<10000x128xf32, #tpu.memory_space<hbm>>) target(%arg9 : memref<128x128xf32, #tpu.memory_space<vmem>>) offsets(%dma_start3A_212 : memref<128xi32, #tpu.memory_space<vmem>>) semaphore(%arg12 : memref<!tpu.dma_semaphore, #tpu.memory_space<semaphore_mem>>)
        %dma_wait3A_216 = arith.constant 0 : i32
        %dma_wait3A_217 = tpu.memref_slice %arg6[%add3A_209, %dma_wait3A_216] : memref<64x128xi32, #tpu.memory_space<vmem>> -> memref<1x128xi32, #tpu.memory_space<vmem>>
        %dma_wait3A_218 = tpu.memref_squeeze %dma_wait3A_217 : memref<1x128xi32, #tpu.memory_space<vmem>> -> memref<128xi32, #tpu.memory_space<vmem>>
        %dma_wait3A_219 = arith.constant 0 : i32
        %dma_wait3A_220 = arith.constant 0 : i32
        %dma_wait3A_221 = tpu.memref_slice %arg2[%dma_wait3A_219, %dma_wait3A_220] : memref<10000x128xf32, #tpu.memory_space<hbm>> -> memref<10000x128xf32, #tpu.memory_space<hbm>>
        tpu.wait_indirect_dma semaphore(%arg12 : memref<!tpu.dma_semaphore, #tpu.memory_space<semaphore_mem>>) src(%dma_wait3A_221 : memref<10000x128xf32, #tpu.memory_space<hbm>>) dst(%arg9 : memref<128x128xf32, #tpu.memory_space<vmem>>)
        %mul3A_222 = arith.constant 2 : i32
        %mul3A_223 = arith.muli %mul3A_222, %while3A_168 : i32
        %add3A_224 = arith.constant 1 : i32
        %add3A_225 = arith.addi %mul3A_223, %add3A_224 : i32
        %dma_start3A_226 = arith.constant 0 : i32
        %dma_start3A_227 = tpu.memref_slice %arg7[%add3A_225, %dma_start3A_226] : memref<64x128xi32, #tpu.memory_space<vmem>> -> memref<1x128xi32, #tpu.memory_space<vmem>>
        %dma_start3A_228 = tpu.memref_squeeze %dma_start3A_227 : memref<1x128xi32, #tpu.memory_space<vmem>> -> memref<128xi32, #tpu.memory_space<vmem>>
        %dma_start3A_229 = arith.constant 0 : i32
        %dma_start3A_230 = arith.constant 0 : i32
        %dma_start3A_231 = tpu.memref_slice %arg10[%dma_start3A_229, %dma_start3A_230] : memref<10112x128xf32, #tpu.memory_space<vmem_shared>> -> memref<10112x128xf32, #tpu.memory_space<vmem_shared>>
        tpu.enqueue_indirect_dma source(%arg9 : memref<128x128xf32, #tpu.memory_space<vmem>>) target(%dma_start3A_231 : memref<10112x128xf32, #tpu.memory_space<vmem_shared>>) offsets(%dma_start3A_228 : memref<128xi32, #tpu.memory_space<vmem>>) semaphore(%arg14 : memref<!tpu.dma_semaphore, #tpu.memory_space<semaphore_mem>>) {add = true}
        %while3A_232 = arith.constant 0 : i32
        scf.yield %while3A_232 : i32
      }
      %dma_wait3A_153 = arith.constant 0 : i32
      %dma_wait3A_154 = arith.constant 0 : i32
      %dma_wait3A_155 = tpu.memref_slice %arg7[%dma_wait3A_153, %dma_wait3A_154] : memref<64x128xi32, #tpu.memory_space<vmem>> -> memref<1x128xi32, #tpu.memory_space<vmem>>
      %dma_wait3A_156 = tpu.memref_squeeze %dma_wait3A_155 : memref<1x128xi32, #tpu.memory_space<vmem>> -> memref<128xi32, #tpu.memory_space<vmem>>
      %dma_wait3A_157 = arith.constant 0 : i32
      %dma_wait3A_158 = arith.constant 0 : i32
      %dma_wait3A_159 = tpu.memref_slice %arg10[%dma_wait3A_157, %dma_wait3A_158] : memref<10112x128xf32, #tpu.memory_space<vmem_shared>> -> memref<10112x128xf32, #tpu.memory_space<vmem_shared>>
      tpu.wait_indirect_dma semaphore(%arg13 : memref<!tpu.dma_semaphore, #tpu.memory_space<semaphore_mem>>) src(%arg8 : memref<128x128xf32, #tpu.memory_space<vmem>>) dst(%dma_wait3A_159 : memref<10112x128xf32, #tpu.memory_space<vmem_shared>>)
      %dma_wait3A_160 = arith.constant 0 : i32
      %dma_wait3A_161 = arith.constant 0 : i32
      %dma_wait3A_162 = tpu.memref_slice %arg7[%dma_wait3A_160, %dma_wait3A_161] : memref<64x128xi32, #tpu.memory_space<vmem>> -> memref<1x128xi32, #tpu.memory_space<vmem>>
      %dma_wait3A_163 = tpu.memref_squeeze %dma_wait3A_162 : memref<1x128xi32, #tpu.memory_space<vmem>> -> memref<128xi32, #tpu.memory_space<vmem>>
      %dma_wait3A_164 = arith.constant 0 : i32
      %dma_wait3A_165 = arith.constant 0 : i32
      %dma_wait3A_166 = tpu.memref_slice %arg10[%dma_wait3A_164, %dma_wait3A_165] : memref<10112x128xf32, #tpu.memory_space<vmem_shared>> -> memref<10112x128xf32, #tpu.memory_space<vmem_shared>>
      tpu.wait_indirect_dma semaphore(%arg14 : memref<!tpu.dma_semaphore, #tpu.memory_space<semaphore_mem>>) src(%arg9 : memref<128x128xf32, #tpu.memory_space<vmem>>) dst(%dma_wait3A_166 : memref<10112x128xf32, #tpu.memory_space<vmem_shared>>)
      %while3A_167 = arith.constant 0 : i32
      scf.yield %while3A_167 : i32
    }
    %barrier3A_62 = arith.constant 0 : index
    tpu.barrier barrier_id(%barrier3A_62)
    %mul3A_63 = arith.constant 632 : i32
    %mul3A_64 = arith.muli %arg1, %mul3A_63 : i32
    %mul3A_65 = arith.constant 632 : i32
    %mul3A_66 = arith.muli %arg1, %mul3A_65 : i32
    "tpu.region"() ({
      %run_scoped3A = tpu.sem_alloc : memref<!tpu.dma_semaphore, #tpu.memory_space<semaphore_mem>>
      %dma_start3A = arith.constant 0 : i32
      %dma_start3A_67 = tpu.memref_slice %arg5[%arg0, %mul3A_66, %dma_start3A] : memref<2x10112x128xf32, #tpu.memory_space<hbm>> -> memref<1x632x128xf32, #tpu.memory_space<hbm>>
      %dma_start3A_68 = tpu.memref_squeeze %dma_start3A_67 : memref<1x632x128xf32, #tpu.memory_space<hbm>> -> memref<632x128xf32, #tpu.memory_space<hbm>>
      %dma_start3A_69 = arith.constant 0 : i32
      %dma_start3A_70 = tpu.memref_slice %arg10[%mul3A_64, %dma_start3A_69] : memref<10112x128xf32, #tpu.memory_space<vmem_shared>> -> memref<632x128xf32, #tpu.memory_space<vmem_shared>>
      tpu.enqueue_dma source(%dma_start3A_70 : memref<632x128xf32, #tpu.memory_space<vmem_shared>>) target(%dma_start3A_68 : memref<632x128xf32, #tpu.memory_space<hbm>>) target_semaphore(%run_scoped3A : memref<!tpu.dma_semaphore, #tpu.memory_space<semaphore_mem>>)
      %dma_wait3A = arith.constant 0 : i32
      %dma_wait3A_71 = tpu.memref_slice %arg5[%arg0, %mul3A_66, %dma_wait3A] : memref<2x10112x128xf32, #tpu.memory_space<hbm>> -> memref<1x632x128xf32, #tpu.memory_space<hbm>>
      %dma_wait3A_72 = tpu.memref_squeeze %dma_wait3A_71 : memref<1x632x128xf32, #tpu.memory_space<hbm>> -> memref<632x128xf32, #tpu.memory_space<hbm>>
      %dma_wait3A_73 = arith.constant 0 : i32
      %dma_wait3A_74 = tpu.memref_slice %arg10[%mul3A_64, %dma_wait3A_73] : memref<10112x128xf32, #tpu.memory_space<vmem_shared>> -> memref<632x128xf32, #tpu.memory_space<vmem_shared>>
      tpu.wait_dma2 semaphore(%run_scoped3A : memref<!tpu.dma_semaphore, #tpu.memory_space<semaphore_mem>>) src(%dma_wait3A_74 : memref<632x128xf32, #tpu.memory_space<vmem_shared>>) dst(%dma_wait3A_72 : memref<632x128xf32, #tpu.memory_space<hbm>>)
      tpu.yield
    }) : () -> ()
    return
  }
}

module attributes {stable_mosaic.version = 14 : i64} {
  func.func @_tc_body(%arg0: i32, %arg1: memref<2000x128xf32, #tpu.memory_space<vmem>>, %arg2: memref<1x2000x128xf32, #tpu.memory_space<vmem>>, %arg3: memref<1x2000x128xf32, #tpu.memory_space<vmem>>, %arg4: memref<128x128xf32, #tpu.memory_space<vmem>>, %arg5: memref<128x128xf32, #tpu.memory_space<vmem>>, %arg6: memref<1x128xf32, #tpu.memory_space<vmem>>, %arg7: memref<1x128xf32, #tpu.memory_space<vmem>>) attributes {dimension_semantics = [#tpu.dimension_semantics<arbitrary>], iteration_bounds = array<i64: 5>, scalar_prefetch = 0 : i64, scratch_operands = 0 : i64, tpu.core_type = #tpu.core_type<tc>, window_params = [{transform_indices = @transform_0, window_bounds = array<i64: 2000, 128>}, {transform_indices = @transform_1, window_bounds = array<i64: 1, 2000, 128>}, {transform_indices = @transform_2, window_bounds = array<i64: 1, 2000, 128>}, {pipeline_mode = #tpu.pipeline_mode<synchronous>, transform_indices = @transform_3, window_bounds = array<i64: 128, 128>}, {pipeline_mode = #tpu.pipeline_mode<synchronous>, transform_indices = @transform_4, window_bounds = array<i64: 128, 128>}, {pipeline_mode = #tpu.pipeline_mode<synchronous>, transform_indices = @transform_5, window_bounds = array<i64: 1, 128>}, {pipeline_mode = #tpu.pipeline_mode<synchronous>, transform_indices = @transform_6, window_bounds = array<i64: 1, 128>}]} {
    %get3A = arith.constant 0 : index
    %get3A_0 = arith.constant 0 : index
    %get3A_1 = vector.load %arg1[%get3A, %get3A_0] : memref<2000x128xf32, #tpu.memory_space<vmem>>, vector<2000x128xf32>
    %get3A_2 = arith.constant 0 : index
    %get3A_3 = arith.constant 0 : index
    %get3A_4 = vector.load %arg4[%get3A_2, %get3A_3] : memref<128x128xf32, #tpu.memory_space<vmem>>, vector<128x128xf32>
    %dot_general3A = arith.constant dense<0.000000e+00> : vector<2000x128xf32>
    %dot_general3A_5 = tpu.matmul %get3A_1, %get3A_4, %dot_general3A {dimension_numbers = #tpu.dot_dimension_numbers<[1], [0], [0], [1], [0, 0, 1, 1], [], []>, transpose_lhs_hint = false} : vector<2000x128xf32>, vector<128x128xf32>, vector<2000x128xf32> -> vector<2000x128xf32>
    %get3A_6 = arith.constant 0 : index
    %get3A_7 = arith.constant 0 : index
    %get3A_8 = arith.constant 0 : index
    %get3A_9 = vector.load %arg2[%get3A_6, %get3A_7, %get3A_8] : memref<1x2000x128xf32, #tpu.memory_space<vmem>>, vector<1x2000x128xf32>
    %get3A_10 = vector.shape_cast %get3A_9 : vector<1x2000x128xf32> to vector<2000x128xf32>
    %get3A_11 = arith.constant 0 : index
    %get3A_12 = arith.constant 0 : index
    %get3A_13 = arith.constant 0 : index
    %get3A_14 = vector.load %arg3[%get3A_11, %get3A_12, %get3A_13] : memref<1x2000x128xf32, #tpu.memory_space<vmem>>, vector<1x2000x128xf32>
    %get3A_15 = vector.shape_cast %get3A_14 : vector<1x2000x128xf32> to vector<2000x128xf32>
    %add3A = arith.addf %get3A_10, %get3A_15 : vector<2000x128xf32>
    %get3A_16 = arith.constant 0 : index
    %get3A_17 = arith.constant 0 : index
    %get3A_18 = vector.load %arg5[%get3A_16, %get3A_17] : memref<128x128xf32, #tpu.memory_space<vmem>>, vector<128x128xf32>
    %dot_general3A_19 = arith.constant dense<0.000000e+00> : vector<2000x128xf32>
    %dot_general3A_20 = tpu.matmul %add3A, %get3A_18, %dot_general3A_19 {dimension_numbers = #tpu.dot_dimension_numbers<[1], [0], [0], [1], [0, 0, 1, 1], [], []>, transpose_lhs_hint = false} : vector<2000x128xf32>, vector<128x128xf32>, vector<2000x128xf32> -> vector<2000x128xf32>
    %add3A_21 = arith.addf %dot_general3A_5, %dot_general3A_20 : vector<2000x128xf32>
    %get3A_22 = arith.constant 0 : index
    %get3A_23 = arith.constant 0 : index
    %get3A_24 = vector.load %arg6[%get3A_22, %get3A_23] : memref<1x128xf32, #tpu.memory_space<vmem>>, vector<1x128xf32>
    %add3A_25 = vector.broadcast %get3A_24 : vector<1x128xf32> to vector<2000x128xf32>
    %add3A_26 = arith.addf %add3A_21, %add3A_25 : vector<2000x128xf32>
    %max3A = arith.constant 0.000000e+00 : f32
    %max3A_27 = vector.broadcast %max3A : f32 to vector<2000x128xf32>
    %max3A_28 = arith.maximumf %add3A_26, %max3A_27 : vector<2000x128xf32>
    %reduce_sum3A = arith.constant dense<0.000000e+00> : vector<128xf32>
    %reduce_sum3A_29 = vector.multi_reduction <add>, %max3A_28, %reduce_sum3A [0] : vector<2000x128xf32> to vector<128xf32>
    %broadcast_in_dim3A = vector.shape_cast %reduce_sum3A_29 : vector<128xf32> to vector<1x128xf32>
    %eq3A = arith.constant 0 : i32
    %eq3A_30 = arith.cmpi eq, %arg0, %eq3A : i32
    %convert_element_type3A = arith.extui %eq3A_30 : i1 to i32
    %cond3A = arith.constant 0 : i32
    %cond3A_31 = arith.cmpi ne, %convert_element_type3A, %cond3A : i32
    scf.if %cond3A_31 {
      %broadcast_in_dim3A_38 = arith.constant 0.000000e+00 : f32
      %broadcast_in_dim3A_39 = vector.broadcast %broadcast_in_dim3A_38 : f32 to vector<1x128xf32>
      %swap3A_40 = arith.constant 0 : index
      %swap3A_41 = arith.constant 0 : index
      %swap3A_42 = vector.load %arg7[%swap3A_40, %swap3A_41] : memref<1x128xf32, #tpu.memory_space<vmem>>, vector<1x128xf32>
      tpu.vector_store %arg7[%swap3A_40, %swap3A_41], %broadcast_in_dim3A_39 {strides = array<i32>} : memref<1x128xf32, #tpu.memory_space<vmem>>, vector<1x128xf32>,
    } else {
    }
    %get3A_32 = arith.constant 0 : index
    %get3A_33 = arith.constant 0 : index
    %get3A_34 = vector.load %arg7[%get3A_32, %get3A_33] : memref<1x128xf32, #tpu.memory_space<vmem>>, vector<1x128xf32>
    %add3A_35 = arith.addf %get3A_34, %broadcast_in_dim3A : vector<1x128xf32>
    %swap3A = arith.constant 0 : index
    %swap3A_36 = arith.constant 0 : index
    %swap3A_37 = vector.load %arg7[%swap3A, %swap3A_36] : memref<1x128xf32, #tpu.memory_space<vmem>>, vector<1x128xf32>
    tpu.vector_store %arg7[%swap3A, %swap3A_36], %add3A_35 {strides = array<i32>} : memref<1x128xf32, #tpu.memory_space<vmem>>, vector<1x128xf32>,
    return
  }
  func.func @transform_0(%arg0: i32) -> (i32, i32) {
    %c0_i32 = arith.constant 0 : i32
    %c0_i32_0 = arith.constant 0 : i32
    return %arg0, %c0_i32 : i32, i32
  }
  func.func @transform_1(%arg0: i32) -> (i32, i32, i32) {
    %c0_i32 = arith.constant 0 : i32
    %c0_i32_0 = arith.constant 0 : i32
    %c0_i32_1 = arith.constant 0 : i32
    return %c0_i32, %arg0, %c0_i32_0 : i32, i32, i32
  }
  func.func @transform_2(%arg0: i32) -> (i32, i32, i32) {
    %c1_i32 = arith.constant 1 : i32
    %c0_i32 = arith.constant 0 : i32
    %c0_i32_0 = arith.constant 0 : i32
    return %c1_i32, %arg0, %c0_i32 : i32, i32, i32
  }
  func.func @transform_3(%arg0: i32) -> (i32, i32) {
    %c0_i32 = arith.constant 0 : i32
    %c0_i32_0 = arith.constant 0 : i32
    %c0_i32_1 = arith.constant 0 : i32
    return %c0_i32, %c0_i32_0 : i32, i32
  }
  func.func @transform_4(%arg0: i32) -> (i32, i32) {
    %c0_i32 = arith.constant 0 : i32
    %c0_i32_0 = arith.constant 0 : i32
    %c0_i32_1 = arith.constant 0 : i32
    return %c0_i32, %c0_i32_0 : i32, i32
  }
  func.func @transform_5(%arg0: i32) -> (i32, i32) {
    %c0_i32 = arith.constant 0 : i32
    %c0_i32_0 = arith.constant 0 : i32
    %c0_i32_1 = arith.constant 0 : i32
    return %c0_i32, %c0_i32_0 : i32, i32
  }
  func.func @transform_6(%arg0: i32) -> (i32, i32) {
    %c0_i32 = arith.constant 0 : i32
    %c0_i32_0 = arith.constant 0 : i32
    %c0_i32_1 = arith.constant 0 : i32
    return %c0_i32, %c0_i32_0 : i32, i32
  }
}

</mosaic_0001>

<sc_bundles>
// kernel: kernel.4.cloned.1.call-start
scs
__scs_entry_jumppad:
0x0: {  	(pc) =	sbr.rel $0x88, $3  }
0x1: {  	(tag) =	ssettag $0x0;
	lr =	simm.s32 $0x1  }
0x2: {  	[smem:$0x3F9A] =	sst lr;
	_ =	strace $0xD0000000  }
0x3: {  	_ = 	snop  }
0x4: {  	_ = 	snop  }
0x5: {  	_ = 	snop  }
0x6: {  	_ = 	snop  }
0x7: {  	_ = 	snop  }
__scs_overlays_trampoline_lowered:
0x8: {  	[smem:$0x3FA9] =	sst s0  }
0x9: {  	[smem:$0x3FAA] =	sst s1  }
0xa: {  	[smem:$0x3FAB] =	sst s2  }
0xb: {  	[smem:$0x3FAC] =	sst s3  }
0xc: {  	[smem:$0x3FAD] =	sst s4  }
0xd: {  	[smem:$0x3FAE] =	sst s5  }
0xe: {  	[smem:$0x3FAF] =	sst s6  }
0xf: {  	[smem:$0x3FB0] =	sst s7  }
0x10: {  	[smem:$0x3FB1] =	sst s8  }
0x11: {  	[smem:$0x3FB2] =	sst s9;
	s0 =	simm.s32 @!p0 $0x0  }
0x12: {  	s1 =	sld [smem:$0x3F98];
	s0 =	simm.s32 @p0 $0x1  }
0x13: {  	[smem:$0x3FB3] =	sst s0;
	s0 =	simm.s32 @!p1 $0x0  }
0x14: {  	s2 =	sld [smem:$0x3F97];
	s0 =	simm.s32 @p1 $0x1  }
0x15: {  	[smem:$0x3FB4] =	sst s0;
	s0 =	simm.s32 @!p2 $0x0  }
0x16: {  	s3 =	sld [smem:$0x3FDB];
	s0 =	simm.s32 @p2 $0x1  }
0x17: {  	s4 =	simm.s32 $0x1BF5;
	[smem:$0x3FB6] =	sst s0  }
0x18: {  	s0 =	sld [smem:$0x3F99];
	_ =	swait.ge [sflag:s4], $0x0  }
0x19: {  	s7 =	sld [smem:$0x3F9A]  }
0x1a: {  	s8 =	sadd.s32 $0xFFFFE003, lr  }
0x1b: {  	s9 =	sadd.s32 $0xFFFFFEF7, lr;
	s5 =	simm.s32 $0xFFFFFFFF;
	p2 =	slt.u32 s8, $0xFFFFF086  }
0x1c: {  	p1 =	slt.u32 s9, $0xF7A;
	s5 =	simm.s32 @!p2 $0x0  }
0x1d: {  	s5 =	simm.s32 @p1 $0x1;
	p0 =	seq.s32 s7, s2  }
0x1e: {  	s7 =	smul.u32 @!p0 $0xF7A, s2;
	p2 =	seq.s32 @!p0 s5, $0x0  }
0x1f: {  	s9 =	smul.u32 $0xF7A, s1;
	s8 =	simm.s32 @!p0 $0x1BF5;
	p2 =	por !p2, p0  }
0x20: {  	[sflag:s8] =	ssyncset.s32 @!p0 $0xFFFFF086;
	s6 =	sadd.s32 @!p0 s3, s7;
	s7 =	simm.s32 @!p0 $0x108  }
0x21: {  	s3 =	sadd.s32 s3, s9;
	s6 =	sadd.s32 @!p0 $0x88, s6;
	s7 =	simm.s32 @p2 $0x1082  }
0x22: {  	[simem:s7], [sflag:s8] =	dma.local @!p0 [hbm:s6], $0xF7A  }
0x23: {  	s9 =	sor.u32 $0xD0000000, s2;
	s6 =	simm.s32 $0x108;
	_ =	swait.ge @!p0 [sflag:s8], $0x0  }
0x24: {  	s3 =	sadd.s32 $0x88, s3;
	s6 =	simm.s32 @!p1 $0x1082;
	[sflag:s4] =	ssyncset.s32 $0xFFFFF086  }
0x25: {  	[simem:s6], [sflag:s4] =	dma.local [hbm:s3], $0xF7A  }
0x26: {  	[smem:$0x3F9A] =	sst s1;
	(tag) =	ssettag s2;
	_ =	strace s9  }
0x27: {  	s1 =	sld [smem:$0x3FAA]  }
0x28: {  	s2 =	sld [smem:$0x3FAB]  }
0x29: {  	s4 =	sld [smem:$0x3FAD]  }
0x2a: {  	p0 =	seq.s32 s5, $0x0;
	s5 =	sld [smem:$0x3FAE]  }
0x2b: {  	s6 =	sld [smem:$0x3FAF]  }
0x2c: {  	s7 =	sld [smem:$0x3FB0]  }
0x2d: {  	s3 =	simm.s32 $0x108;
	s8 =	sld [smem:$0x3FB1]  }
0x2e: {  	s3 =	simm.s32 @!p0 $0x1082;
	s9 =	sld [smem:$0x3FB2]  }
0x2f: {  	lr =	sadd.s32 s0, s3;
	s0 =	sld [smem:$0x3FA9]  }
0x30: {  	s3 =	sld [smem:$0x3FAC]  }
0x31: {  	[smem:$0x3FB5] =	sst s10  }
0x32: {  	s10 =	sld [smem:$0x3FB3];
	_ =	sdelay $0x3  }
0x33: {  	p0 =	seq.s32 s10, $0x1;
	s10 =	sld [smem:$0x3FB5];
	_ =	sdelay $0x3  }
0x34: {  	[smem:$0x3FB5] =	sst s10  }
0x35: {  	s10 =	sld [smem:$0x3FB4];
	_ =	sdelay $0x3  }
0x36: {  	p1 =	seq.s32 s10, $0x1;
	s10 =	sld [smem:$0x3FB5];
	_ =	sdelay $0x3  }
0x37: {  	[smem:$0x3FB5] =	sst s10  }
0x38: {  	s10 =	sld [smem:$0x3FB6]  }
0x39: {  	_ = 	snop;
	(pc) =	sbr.ind lr, $3  }
0x3a: {  	_ = 	snop  }
0x3b: {  	_ = 	snop  }
0x3c: {  	p2 =	seq.s32 s10, $0x1;
	s10 =	sld [smem:$0x3FB5]  }
0x3d: {  	_ =	shalt  }
0x3e: {  	_ =	shalt  }
0x3f: {  	_ =	shalt  }
0x40: {  	_ =	shalt  }
0x41: {  	_ =	shalt  }
0x42: {  	_ =	shalt  }
0x43: {  	_ =	shalt  }
0x44: {  	_ =	shalt  }
0x45: {  	_ =	shalt  }
0x46: {  	_ =	shalt  }
0x47: {  	_ =	shalt  }
0x48: {  	_ =	shalt  }
0x49: {  	_ =	shalt  }
0x4a: {  	_ =	shalt  }
0x4b: {  	_ =	shalt  }
0x4c: {  	_ =	shalt  }
0x4d: {  	_ =	shalt  }
0x4e: {  	_ =	shalt  }
0x4f: {  	_ =	shalt  }
0x50: {  	_ =	shalt  }
0x51: {  	_ =	shalt  }
0x52: {  	_ =	shalt  }
0x53: {  	_ =	shalt  }
0x54: {  	_ =	shalt  }
0x55: {  	_ =	shalt  }
0x56: {  	_ =	shalt  }
0x57: {  	_ =	shalt  }
0x58: {  	_ =	shalt  }
0x59: {  	_ =	shalt  }
0x5a: {  	_ =	shalt  }
0x5b: {  	_ =	shalt  }
0x5c: {  	_ =	shalt  }
0x5d: {  	_ =	shalt  }
0x5e: {  	_ =	shalt  }
0x5f: {  	_ =	shalt  }
0x60: {  	_ =	shalt  }
0x61: {  	_ =	shalt  }
0x62: {  	_ =	shalt  }
0x63: {  	_ =	shalt  }
0x64: {  	_ =	shalt  }
0x65: {  	_ =	shalt  }
0x66: {  	_ =	shalt  }
0x67: {  	_ =	shalt  }
0x68: {  	_ =	shalt  }
0x69: {  	_ =	shalt  }
0x6a: {  	_ =	shalt  }
0x6b: {  	_ =	shalt  }
0x6c: {  	_ =	shalt  }
0x6d: {  	_ =	shalt  }
0x6e: {  	_ =	shalt  }
0x6f: {  	_ =	shalt  }
0x70: {  	_ =	shalt  }
0x71: {  	_ =	shalt  }
0x72: {  	_ =	shalt  }
0x73: {  	_ =	shalt  }
0x74: {  	_ =	shalt  }
0x75: {  	_ =	shalt  }
0x76: {  	_ =	shalt  }
0x77: {  	_ =	shalt  }
0x78: {  	_ =	shalt  }
0x79: {  	_ =	shalt  }
0x7a: {  	_ =	shalt  }
0x7b: {  	_ =	shalt  }
0x7c: {  	_ =	shalt  }
0x7d: {  	_ =	shalt  }
0x7e: {  	_ =	shalt  }
0x7f: {  	_ =	shalt  }
0x80: {  	_ =	shalt  }
0x81: {  	_ =	shalt  }
0x82: {  	_ =	shalt  }
0x83: {  	_ =	shalt  }
0x84: {  	_ =	shalt  }
0x85: {  	_ =	shalt  }
0x86: {  	_ =	shalt  }
0x87: {  	_ =	shalt  }
.Lfunc_end0:
.L_simem_size_0:
called_computation_lowered:
.L_overlay_start_0:
0x88: {  	s2 =	sld [smem:$0x3FD9]  }
0x89: {  	s3 =	sld [smem:$0x3FFE];
	_ =	sdelay $0x1  }
0x8a: {  	s1 =	srdreg.scid  }
0x8b: {  	s0 =	sand.u32 $0x1, s1  }
0x8c: {  	s17 =	sshll.u32 s0, $0xA;
	s2 =	sadd.s32 s3, s2  }
0x8d: {  	s2 =	sadd.s32 s2, s17  }
0x8e: {  	[smem:$0x3FC1] =	sst s2  }
0x8f: {  	_ = 	snop  }
0x90: {  	s2 =	sld [smem:$0x3FC7];
	(tm) =	ssettm $0x1  }
0x91: {  	s18 =	sld [smem:$0x3FFB];
	_ =	sdelay $0x3  }
0x92: {  	_ =	strace s18  }
0x93: {  	s3 =	sld [smem:$0x3FFC];
	_ =	sdelay $0x3  }
0x94: {  	_ =	strace s3  }
0x95: {  	s3 =	sld [smem:$0x3FFD];
	_ =	sdelay $0x3  }
0x96: {  	_ =	strace s3  }
0x97: {  	_ =	strace $0x8FFFFFFF  }
0x98: {  	s19 =	sld [smem:$0x3FDB];
	_ =	sdelay $0x1  }
0x99: {  	s4 =	simm.s32 $_scs_section_size  }
0x9a: {  	s5 =	simm.s32 $_size__tile_overlayer_lowered;
	s6 =	simm.s32 $_tile_overlayer_lowered  }
0x9b: {  	s22 =	simm.s32 $0x1BFF;
	s21 =	sshll.u32 s6, $0x1;
	s3 =	sadd.s32 s4, s19  }
0x9c: {  	s7 =	simm.s32 $0x0;
	s20 =	sshll.u32 s5, $0x1;
	s5 =	sadd.s32 s21, s3  }
0x9d: {  	[timem:s7], [sflag:s22] =	dma.local [hbm:s5], s20  }
0x9e: {  	_ =	swait.ge [sflag:s22], s20  }
0x9f: {  	s4 =	ssub.s32 $0x0, s20;
	[sflag:s22] =	ssyncset.done $0x0  }
0xa0: {  	[sflag:s22] =	ssyncadd.s32 s4;
	_ =	sdelay $0x1  }
0xa1: {  	s23 =	simm.s32 $0x1B8B  }
0xa2: {  	_ =	swait.ge [sflag:s23], $0x1  }
0xa3: {  	[sflag:s23] =	ssyncset.done $0x0  }
0xa4: {  	s25 =	simm.s32 $0x1B8E;
	s24 =	sld [smem:$0x3FFE];
	[sflag:s23] =	ssyncadd.s32 $0xFFFFFFFF  }
0xa5: {  	s26 =	simm.s32 $execute0_lowered;
	[smem:$0x3FD2] =	sst s25  }
0xa6: {  	s5 =	sshll.u32 s26, $0x1;
	_ =	strace $0x80000046;
	[dreg:$0x1] =	wrdreg $0xFFFFFFFF  }
0xa7: {  	s28 =	simm.s32 $_size_execute0_lowered;
	s3 =	sadd.s32 s3, s5;
	[dreg:$0x0] =	wrdreg $0x0  }
0xa8: {  	s5 =	sshll.u32 s28, $0x1;
	[dreg:$0x2] =	wrdreg s3  }
0xa9: {  	[dreg:$0x3] =	wrdreg s5  }
0xaa: {  	[dreg:$0x4] =	wrdreg $0xC0  }
0xab: {  	_ =	task [dreg:s7], $0x5FFFF  }
0xac: {  	[dreg:$0x1] =	wrdreg $0xFFFFFFFF  }
0xad: {  	[dreg:$0x0] =	wrdreg $0x60  }
0xae: {  	[dreg:$0x2] =	wrdreg s2  }
0xaf: {  	[dreg:$0x3] =	wrdreg s24  }
0xb0: {  	[dreg:$0x4] =	wrdreg $0xC0000  }
0xb1: {  	[dreg:$0x5] =	wrdreg $0x9  }
0xb2: {  	_ =	task.clear_ibuf [dreg:s7], $0x6FFFF;
	_ =	strace $0x90000046  }
0xb3: {  	s29 =	simm.s32 $0x9;
	_ =	strace $0x80000048  }
0xb4: {  	_ =	swait.ge [sflag:s29], $0x1  }
0xb5: {  	[sflag:s29] =	ssyncadd.s32 $0xFFFFFFFF  }
0xb6: {  	_ =	strace $0x90000048  }
0xb7: {  	_ =	sfence  }
0xb8: {  	s30 =	sld [smem:$0x0];
	_ =	sdelay $0x2  }
0xb9: {  	s31 =	sshll.u32 s1, $0xD;
	s1 =	sshrl.u32 s1, $0x2  }
0xba: {  	s3 =	sand.u32 $0x4000, s31;
	s1 =	sadd.s32 s1, s30  }
0xbb: {  	s0 =	sor.u32 s3, s0;
	s1 =	sshll.u32 s1, $0x11  }
0xbc: {  	s0 =	sor.u32 s1, s0  }
0xbd: {  	s0 =	sadd.s32 $0x8F2B, s0  }
0xbe: {  	[sflag:s0] =	ssyncadd.remote.s32 $0x1  }
0xbf: {  	_ =	sfence.sel $0xFFFF  }
0xc0: {  	[dreg:$0x0] =	wrdreg $0xFFFFFFFF;
	(pc) =	sbr.abs _section_cstart, $3  }
0xc1: {  	[dreg:$0x1] =	wrdreg $0xFFFFFFFF  }
0xc2: {  	_ =	task.clear_ibuf [dreg:s7], $0x2FFFF;
	_ =	strace $0x9FFFFFFF  }
0xc3: {  	(tm) =	ssettm $0x7FFFFFFF  }
tec
execute0_lowered:
.L_overlay_start_1:
0x0: {  	(tag) =	ssettag $0x1  }
0x1: {  	s1 =	rddreg [dreg:$0x0]  }
0x2: {  	s0 =	rddreg [dreg:$0x1]  }
0x3: {  	s2 =	rddreg [dreg:$0x2];
	s3 =	srdreg.scid  }
0x4: {  	s4 =	simm.s32 $0x0;
	s13 =	stileid.u32;
	s18 =	simm.s32 $0x4000  }
0x5: {  	s19 =	simm.s32 $0x5;
	s20 =	simm.s32 $0x2000;
	s21 =	simm.s32 $0x1  }
0x6: {  	s22 =	simm.s32 $0x8000;
	s23 =	simm.s32 $0x2;
	s24 =	simm.s32 $0x2080  }
0x7: {  	s25 =	simm.s32 $0x3;
	s26 =	simm.s32 $0x4;
	s28 =	simm.s32 $0x0  }
0x8: {  	s3 =	sand.u32 $0x1, s3;
	[smem:$0x7FF] =	sst s4;
	s7 =	smul.u32 $0x13C00, s13  }
0x9: {  	s5 =	sadd.s32 $0x1400, s0;
	s10 =	smul.u32 $0x4F000, s13;
	s15 =	sshll.u32 s13, $0xE  }
0xa: {  	s6 =	smul.u32 $0x13C000, s3;
	_ =	strace $0x80000047;
	s29 =	ssub.s32 $0x2, s3  }
0xb: {  	p0 =	seq.s32 s3, $0x0;
	s3 =	sshll.u32 s3, $0x12;
	s9 =	sshrl.u32 s29, $0x1  }
0xc: {  	s30 =	sshrl.u32 s10, $0x2;
	s15 =	sor.u32 s15, s3;
	s6 =	sadd.s32 s7, s6  }
0xd: {  	s17 =	ssub.s32 s29, s9;
	s7 =	simm.s32 $0x80;
	s9 =	sadd.s32 s30, s2  }
.Ltmp0:
0xe: {  	s8 =	sshrl.u32 s6, $0x3;
	s6 =	sadd.s32 $0x11400, s0;
	(pc) =	sbr.rel .LBB2_1-.Ltmp0, $4  }
0xf: {  	s7 =	simm.s32 @!p0 $0x1E;
	s31 =	sadd.s32 $0x4000, s9;
	s11 =	sadd.s32 $0x8000, s9  }
0x10: {  	s12 =	sadd.s32 $0xC000, s9;
	s13 =	sadd.s32 $0x10000, s9;
	s17 =	smax.u32 s17, $0x1  }
0x11: {  	s0 =	sadd.s32 s8, s0;
	s8 =	simm.s32 $0x80;
	s14 =	sadd.s32 $0x3E, s7  }
0x12: {  	v0 =	vimm.f32 $0.0e+00;
	[dreg:$0x4] =	wrdreg s31;
	s14 =	sshrl.u32 s14, $0x6;
	s16 =	sadd.s32 $0x21400, s0  }
.LBB2_9:
0x13: {  	s0 =	stileid.u32;
	s28 =	sadd.s32 $0x1, s28  }
0x14: {  	[bflag:$0x0] =	sbarrier.arrive $0xFFFF;
	s0 =	sshll.u32 s0, $0x6;
	p0 =	sne.s32 s28, s17  }
.Ltmp1:
0x15: {  	s3 =	sshrl.u32 s9, $0x3;
	s0 =	sor.u32 $0x1C05, s0;
	(pc) =	sbr.rel @!p0 .LBB2_10-.Ltmp1, $4  }
0x16: {  	[hbm:s16], [sflag:s0] =	dma.local [spmem:s3], $0x2780  }
0x17: {  	_ =	swait.ge [sflag:s19], $0x2780  }
0x18: {  	[sflag:s19] =	ssyncset.done $0x0  }
0x19: {  	[sflag:s19] =	ssyncadd.s32 $0xFFFFD880  }
.LBB2_1:
0x1a: {  	s0 =	simm.s32 $0x0;
	s29 =	simm.s32 $0x200  }
.LBB2_2:
0x1b: {  	p0 =	sne.s32 s29, $0xFE00;
	[tilespmem:s0+$0x4070] =	vst v0  }
0x1c: {  	[tilespmem:s0+$0x4000] =	vst v0  }
0x1d: {  	[tilespmem:s0+$0x4010] =	vst v0  }
.Ltmp2:
0x1e: {  	[tilespmem:s0+$0x4020] =	vst v0;
	(pc) =	sbr.rel @p0 .LBB2_2-.Ltmp2, $4  }
0x1f: {  	[tilespmem:s0+$0x4030] =	vst v0  }
0x20: {  	[tilespmem:s0+$0x4040] =	vst v0  }
0x21: {  	[tilespmem:s0+$0x4050] =	vst v0  }
0x22: {  	[tilespmem:s0+$0x4060] =	vst v0;
	s0 =	sshra.s32 s29, $0x2;
	s29 =	sadd.s32 $0x200, s29  }
0x23: {  	[tilespmem:s0+$0x4070] =	vst v0  }
0x24: {  	[tilespmem:s0+$0x4000] =	vst v0  }
0x25: {  	[tilespmem:s0+$0x4010] =	vst v0  }
0x26: {  	[tilespmem:s0+$0x4020] =	vst v0  }
0x27: {  	[tilespmem:s0+$0x4030] =	vst v0  }
0x28: {  	[tilespmem:s0+$0x4040] =	vst v0  }
0x29: {  	[tilespmem:s0+$0x4050] =	vst v0  }
0x2a: {  	[tilespmem:s0+$0x4060] =	vst v0  }
0x2b: {  	[spmem:s9] =	stream.linear.scatter [tilespmem:s18], [sflag:$0x5], $0x4000, $0x38;
	[tilespmem:$0x1FC00] =	vst v63  }
0x2c: {  	_ =	swait.ge [sflag:s19], $0x4000  }
0x2d: {  	[sflag:s19] =	ssyncset.done $0x0  }
0x2e: {  	s31 =	rddreg [dreg:$0x4];
	[sflag:s19] =	ssyncadd.s32 $0xFFFFC000  }
0x2f: {  	[spmem:s31] =	stream.linear.scatter [tilespmem:s18], [sflag:$0x5], $0x4000, $0x38;
	[tilespmem:$0x1FC00] =	vst v63  }
0x30: {  	_ =	swait.ge [sflag:s19], $0x4000  }
0x31: {  	[sflag:s19] =	ssyncset.done $0x0  }
0x32: {  	[sflag:s19] =	ssyncadd.s32 $0xFFFFC000  }
0x33: {  	[spmem:s11] =	stream.linear.scatter [tilespmem:s18], [sflag:$0x5], $0x4000, $0x38;
	[tilespmem:$0x1FC00] =	vst v63  }
0x34: {  	_ =	swait.ge [sflag:s19], $0x4000  }
0x35: {  	[sflag:s19] =	ssyncset.done $0x0  }
0x36: {  	[sflag:s19] =	ssyncadd.s32 $0xFFFFC000  }
0x37: {  	[spmem:s12] =	stream.linear.scatter [tilespmem:s18], [sflag:$0x5], $0x4000, $0x38;
	[tilespmem:$0x1FC00] =	vst v63  }
0x38: {  	_ =	swait.ge [sflag:s19], $0x4000  }
0x39: {  	[sflag:s19] =	ssyncset.done $0x0  }
0x3a: {  	[sflag:s19] =	ssyncadd.s32 $0xFFFFC000  }
0x3b: {  	[spmem:s13] =	stream.linear.scatter [tilespmem:s18], [sflag:$0x5], $0x3C00, $0x38;
	[tilespmem:$0x1FC00] =	vst v63  }
.Ltmp3:
0x3c: {  	_ =	swait.ge [sflag:s19], $0x3C00;
	(pc) =	sbr.rel .LBB2_4-.Ltmp3, $4  }
0x3d: {  	[sflag:s19] =	ssyncset.done $0x0  }
0x3e: {  	[sflag:s19] =	ssyncadd.s32 $0xFFFFC400  }
0x3f: {  	[bflag:$0x0] =	sbarrier.arrive $0xFFFF  }
0x40: {  	s29 =	simm.s32 $0x0  }
.LBB2_7:
0x41: {  	[spmem:s2] =	stream.indirect.scatter.add.f32 [tilespmem:s22], [sflag:$0x4], $0x80, s3, s8, $0xb8;
	[tilespmem:$0x1FC00] =	vst v63  }
.LBB2_8:
0x42: {  	s29 =	sadd.s32 $0x1, s29  }
0x43: {  	_ =	swait.ge [sflag:s25], $0x4000;
	p0 =	sne.s32 s29, s14  }
.Ltmp4:
0x44: {  	[sflag:s25] =	ssyncset.done $0x0;
	(pc) =	sbr.rel @!p0 .LBB2_9-.Ltmp4, $4  }
0x45: {  	[sflag:s25] =	ssyncadd.s32 $0xFFFFC000  }
0x46: {  	_ =	swait.ge [sflag:s26], $0x4000  }
0x47: {  	[sflag:s26] =	ssyncset.done $0x0  }
0x48: {  	[sflag:s26] =	ssyncadd.s32 $0xFFFFC000  }
.LBB2_4:
0x49: {  	s0 =	sshll.u32 s29, $0xD  }
0x4a: {  	s0 =	sadd.s32 s0, s15  }
0x4b: {  	s0 =	sshrl.u32 s0, $0x3  }
0x4c: {  	s3 =	sadd.s32 s5, s0  }
0x4d: {  	[tilespmem:s4], [sflag:$0x5] =	stream.linear.gather [hbm4b:s3+s4], $0x2000, $0x38;
	[tilespmem:$0x1FC00] =	vst v63  }
0x4e: {  	_ =	swait.ge [sflag:s19], $0x2000  }
0x4f: {  	[sflag:s19] =	ssyncset.done $0x0  }
0x50: {  	s0 =	sadd.s32 s6, s0;
	[sflag:s19] =	ssyncadd.s32 $0xFFFFE000  }
0x51: {  	[tilespmem:s20], [sflag:$0x5] =	stream.linear.gather [hbm4b:s0+s4], $0x2000, $0x38;
	[tilespmem:$0x1FC00] =	vst v63  }
0x52: {  	_ =	swait.ge [sflag:s19], $0x2000  }
0x53: {  	s31 =	sshll.u32 s29, $0x6;
	[sflag:s19] =	ssyncset.done $0x0  }
0x54: {  	s0 =	ssub.s32 s7, s31;
	[sflag:s19] =	ssyncadd.s32 $0xFFFFE000  }
0x55: {  	[tilespmem:s18], [sflag:$0x1] =	stream.indirect.gather [hbm4b:s1+s8], $0x80, s4, s8, $0xb8;
	[tilespmem:$0x1FC00] =	vst v63  }
0x56: {  	p0 =	slt.s32 s0, $0x40;
	_ =	swait.ge [sflag:s21], $0x4000  }
0x57: {  	s0 =	simm.s32 @!p0 $0x40;
	[sflag:s21] =	ssyncset.done $0x0  }
0x58: {  	s0 =	sshra.s32 s0, $0x1;
	[sflag:s21] =	ssyncadd.s32 $0xFFFFC000  }
0x59: {  	[spmem:s2] =	stream.indirect.scatter.add.f32 [tilespmem:s18], [sflag:$0x3], $0x80, s20, s8, $0xb8;
	[tilespmem:$0x1FC00] =	vst v63  }
0x5a: {  	p0 =	slt.s32 s0, $0x2  }
0x5b: {  	[tilespmem:s22], [sflag:$0x2] =	stream.indirect.gather [hbm4b:s1+s8], $0x80, s8, s8, $0xb8;
	[tilespmem:$0x1FC00] =	vst v63  }
.Ltmp5:
0x5c: {  	_ = 	snop;
	(pc) =	sbr.rel @p0 .LBB2_8-.Ltmp5, $4  }
0x5d: {  	_ =	swait.ge [sflag:s23], $0x4000  }
0x5e: {  	[sflag:s23] =	ssyncset.done $0x0  }
0x5f: {  	[sflag:s23] =	ssyncadd.s32 $0xFFFFC000  }
0x60: {  	[spmem:s2] =	stream.indirect.scatter.add.f32 [tilespmem:s22], [sflag:$0x4], $0x80, s24, s8, $0xb8;
	[tilespmem:$0x1FC00] =	vst v63  }
0x61: {  	_ =	swait.ge [sflag:s25], $0x4000  }
0x62: {  	[sflag:s25] =	ssyncset.done $0x0  }
0x63: {  	s3 =	simm.s32 $0x100;
	[sflag:s25] =	ssyncadd.s32 $0xFFFFC000  }
0x64: {  	[tilespmem:s18], [sflag:$0x1] =	stream.indirect.gather [hbm4b:s1+s8], $0x80, s3, s8, $0xb8;
	[tilespmem:$0x1FC00] =	vst v63  }
0x65: {  	_ =	swait.ge [sflag:s21], $0x4000  }
0x66: {  	[sflag:s21] =	ssyncset.done $0x0  }
0x67: {  	s10 =	simm.s32 $0x2100;
	[sflag:s21] =	ssyncadd.s32 $0xFFFFC000  }
0x68: {  	[spmem:s2] =	stream.indirect.scatter.add.f32 [tilespmem:s18], [sflag:$0x3], $0x80, s10, s8, $0xb8;
	[tilespmem:$0x1FC00] =	vst v63  }
0x69: {  	s0 =	sadd.s32 $0xFFFFFFFF, s0;
	_ =	swait.ge [sflag:s26], $0x4000  }
0x6a: {  	p0 =	sne.s32 s0, $0x1;
	[sflag:s26] =	ssyncset.done $0x0  }
.Ltmp6:
0x6b: {  	s10 =	simm.s32 $0x180;
	[sflag:s26] =	ssyncadd.s32 $0xFFFFC000;
	(pc) =	sbr.rel @!p0 .LBB2_7-.Ltmp6, $4  }
0x6c: {  	[tilespmem:s22], [sflag:$0x2] =	stream.indirect.gather [hbm4b:s1+s8], $0x80, s10, s8, $0xb8;
	[tilespmem:$0x1FC00] =	vst v63  }
0x6d: {  	_ =	swait.ge [sflag:s23], $0x4000  }
0x6e: {  	s31 =	simm.s32 $0x2200;
	s30 =	sadd.s32 $0xFFFFFFFF, s0;
	[sflag:s23] =	ssyncset.done $0x0  }
0x6f: {  	s0 =	simm.s32 $0x200;
	s3 =	simm.s32 $0x2180;
	[sflag:s23] =	ssyncadd.s32 $0xFFFFC000  }
.LBB2_6:
0x70: {  	[spmem:s2] =	stream.indirect.scatter.add.f32 [tilespmem:s22], [sflag:$0x4], $0x80, s3, s8, $0xb8;
	[tilespmem:$0x1FC00] =	vst v63  }
0x71: {  	p0 =	sne.s32 s30, $0x1;
	s30 =	sadd.s32 $0xFFFFFFFF, s30;
	_ =	swait.ge [sflag:s25], $0x4000  }
0x72: {  	s3 =	smov.u32 s31;
	[sflag:s25] =	ssyncset.done $0x0  }
0x73: {  	[sflag:s25] =	ssyncadd.s32 $0xFFFFC000  }
0x74: {  	[tilespmem:s18], [sflag:$0x1] =	stream.indirect.gather [hbm4b:s1+s8], $0x80, s0, s8, $0xb8;
	[tilespmem:$0x1FC00] =	vst v63  }
0x75: {  	_ =	swait.ge [sflag:s21], $0x4000  }
0x76: {  	[sflag:s21] =	ssyncset.done $0x0  }
0x77: {  	[sflag:s21] =	ssyncadd.s32 $0xFFFFC000  }
0x78: {  	[spmem:s2] =	stream.indirect.scatter.add.f32 [tilespmem:s18], [sflag:$0x3], $0x80, s31, s8, $0xb8;
	[tilespmem:$0x1FC00] =	vst v63  }
0x79: {  	_ =	swait.ge [sflag:s26], $0x4000  }
0x7a: {  	[sflag:s26] =	ssyncset.done $0x0  }
.Ltmp7:
0x7b: {  	s10 =	sadd.s32 $0x80, s0;
	[sflag:s26] =	ssyncadd.s32 $0xFFFFC000;
	(pc) =	sbr.rel @p0 .LBB2_6-.Ltmp7, $4  }
0x7c: {  	[tilespmem:s22], [sflag:$0x2] =	stream.indirect.gather [hbm4b:s1+s8], $0x80, s10, s8, $0xb8;
	[tilespmem:$0x1FC00] =	vst v63  }
0x7d: {  	_ =	swait.ge [sflag:s23], $0x4000  }
0x7e: {  	s31 =	sadd.s32 $0x100, s31;
	[sflag:s23] =	ssyncset.done $0x0  }
0x7f: {  	s3 =	sadd.s32 $0x80, s3;
	s0 =	sadd.s32 $0x100, s0;
	[sflag:s23] =	ssyncadd.s32 $0xFFFFC000  }
.Ltmp8:
0x80: {  	_ = 	snop;
	(pc) =	sbr.rel .LBB2_7-.Ltmp8, $1  }
0x81: {  	_ =	sdelay $0x3  }
.LBB2_10:
0x82: {  	_ =	sfence.sel $0x180000  }
0x83: {  	[bflag:$0x0] =	sbarrier.arrive $0xFFFF  }
0x84: {  	_ =	strace $0x90000047  }
0x85: {  	s0 =	stileid.u32;
	[bflag:$0x2] =	sbarrier.arrive $0xFFFF  }
0x86: {  	p0 =	sne.s32 s0, $0x0;
	s0 =	rddreg [dreg:$0x3]  }
0x87: {  	s0 =	sadd.s32 @!p0 $0x100000, s0  }
0x88: {  	[sflag:s0] =	ssyncadd.tile.s32 @!p0 $0x1;
	_ =	shalt  }
.Lfunc_end2:
_tile_overlayer_lowered:
.L_overlay_start_2:
0x89: {  	(tag) =	ssettag $0x2  }
0x8a: {  	s0 =	rddreg [dreg:$0x0];
	s2 =	stileid.u32  }
0x8b: {  	s1 =	rddreg [dreg:$0x1];
	p0 =	sne.s32 s2, $0x0  }
0x8c: {  	s3 =	rddreg [dreg:$0x2];
	[bflag:$0x3] =	sbarrier.arrive $0xFFFF;
	s2 =	simm.s32 @!p0 $0x1C05  }
0x8d: {  	[timem:s3], [sflag:s2] =	dma.local @!p0 [hbm:s0], s1  }
0x8e: {  	s0 =	simm.s32 @!p0 $0x5  }
0x8f: {  	_ =	swait.ge @!p0 [sflag:s0], s1  }
0x90: {  	s1 =	ssub.s32 @!p0 $0x0, s1;
	[sflag:s0] =	ssyncset.done @!p0 $0x0  }
0x91: {  	[sflag:s0] =	ssyncadd.s32 @!p0 s1  }
0x92: {  	[bflag:$0x3] =	sbarrier.arrive $0xFFFF  }
0x93: {  	_ =	shalt  }

</sc_bundles>
